<compile_context>
chip_gen: v7x
topology: tpu7x:2x2x1
jax: 0.10.2.dev20260603
libtpu: 0.0.44.dev20260713+nightly
codegen_flags: <defaults>
</compile_context>

<pallas_src>
import functools

import jax
import jax.numpy as jnp
from jax import lax
from jax.experimental import pallas as pl
from jax.experimental.pallas import tpu as pltpu
from jax.experimental.pallas import tpu_sc as plsc

C = 500000
NV = 250000
NE = 750000

BC = 8192
CP = 507904


def _tc_body(f_ref, v_ref, w_ref, det_ref, ori_ref, fte_ref, fv_ref,
             vert_ref, edge_ref, eidx_ref, vidx_ref, face_ref):
    cell = lax.broadcasted_iota(jnp.int32, (1, BC), 1) + pl.program_id(0) * BC
    m = cell < C
    vw = v_ref[...] * w_ref[...]
    ix = lax.dot_general(vw, f_ref[...], (((1,), (1,)), ((), ())),
                         preferred_element_type=jnp.float32)
    ix = ix * det_ref[...]
    vert_ref[...] = jnp.where(m, ix[0:3, :], 0.0)
    ev = ix[3:9, :]
    sw = jnp.concatenate(
        [ix[4:5, :], ix[3:4, :], ix[6:7, :], ix[5:6, :], ix[8:9, :], ix[7:8, :]],
        axis=0)
    o = ori_ref[...]
    oe = jnp.concatenate(
        [o[0:1, :], o[0:1, :], o[1:2, :], o[1:2, :], o[2:3, :], o[2:3, :]],
        axis=0)
    edge_ref[...] = jnp.where(m & (oe == 1), ev, jnp.where(m, sw, 0.0))
    e2 = fte_ref[...] * 2
    ei = jnp.concatenate(
        [e2[0:1, :], e2[0:1, :] + 1, e2[1:2, :], e2[1:2, :] + 1,
         e2[2:3, :], e2[2:3, :] + 1], axis=0)
    eidx_ref[...] = jnp.where(m, ei, 0)
    vidx_ref[...] = jnp.where(m, fv_ref[...], 0)
    face_ref[...] = ix[9:10, :]


_tc_call = pl.pallas_call(
    _tc_body,
    grid=(CP // BC,),
    in_specs=[
        pl.BlockSpec((BC, 16), lambda i: (i, 0)),
        pl.BlockSpec((10, 16), lambda i: (0, 0)),
        pl.BlockSpec((1, 16), lambda i: (0, 0)),
        pl.BlockSpec((1, BC), lambda i: (0, i)),
        pl.BlockSpec((3, BC), lambda i: (0, i)),
        pl.BlockSpec((3, BC), lambda i: (0, i)),
        pl.BlockSpec((3, BC), lambda i: (0, i)),
    ],
    out_specs=[
        pl.BlockSpec((3, BC), lambda i: (0, i)),
        pl.BlockSpec((6, BC), lambda i: (0, i)),
        pl.BlockSpec((6, BC), lambda i: (0, i)),
        pl.BlockSpec((3, BC), lambda i: (0, i)),
        pl.BlockSpec((1, BC), lambda i: (0, i)),
    ],
    out_shape=[
        jax.ShapeDtypeStruct((3, CP), jnp.float32),
        jax.ShapeDtypeStruct((6, CP), jnp.float32),
        jax.ShapeDtypeStruct((6, CP), jnp.int32),
        jax.ShapeDtypeStruct((3, CP), jnp.int32),
        jax.ShapeDtypeStruct((1, C), jnp.float32),
    ],
)

NT = 16
CR = 24
ZB = 4096
OB = 8192

ROWS_V = 3 * CP // 128
TR_V = ROWS_V // NT
ROWS_E = 6 * CP // 128
TR_E = ROWS_E // NT

VACC_T = 15632
VACC_P = NT * VACC_T
EACC_T = 93760
EACC_P = NT * EACC_T


def _seg_scatter(vals, idx, out, acc, zb, val_b, idx_b, ob, sem, sid,
                 rows_t, acc_t, out_total):
    base = sid * acc_t
    row0 = sid * rows_t
    nz_full, nz_tail = divmod(acc_t, ZB)

    @pl.loop(0, nz_full)
    def _(z):
        pltpu.sync_copy(zb, acc.at[pl.ds(base + z * ZB, ZB)])
    if nz_tail:
        pltpu.sync_copy(zb.at[pl.ds(0, nz_tail)],
                        acc.at[pl.ds(base + nz_full * ZB, nz_tail)])
    plsc.subcore_barrier()

    @pl.loop(0, rows_t, step=CR)
    def _(k):
        pltpu.sync_copy(vals.at[pl.ds(row0 + k, CR), :], val_b)
        pltpu.sync_copy(idx.at[pl.ds(row0 + k, CR), :], idx_b)

        @pl.loop(0, CR)
        def _(j):
            pltpu.async_copy(val_b.at[j], acc.at[idx_b.at[j]], sem, add=True)

        @pl.loop(0, CR)
        def _(j):
            pltpu.make_async_copy(val_b.at[j], acc.at[idx_b.at[j]], sem).wait()

    plsc.subcore_barrier()

    nfull = acc_t // OB
    tail = acc_t - nfull * OB
    tail_last = (out_total - 15 * acc_t) - nfull * OB

    @pl.loop(0, nfull)
    def _(z):
        pltpu.sync_copy(acc.at[pl.ds(base + z * OB, OB)], ob)
        pltpu.sync_copy(ob, out.at[pl.ds(base + z * OB, OB)])

    @pl.when(sid < NT - 1)
    def _():
        pltpu.sync_copy(acc.at[pl.ds(base + nfull * OB, tail)],
                        ob.at[pl.ds(0, tail)])
        pltpu.sync_copy(ob.at[pl.ds(0, tail)],
                        out.at[pl.ds(base + nfull * OB, tail)])

    @pl.when(sid == NT - 1)
    def _():
        pltpu.sync_copy(acc.at[pl.ds(base + nfull * OB, tail_last)],
                        ob.at[pl.ds(0, tail_last)])
        pltpu.sync_copy(ob.at[pl.ds(0, tail_last)],
                        out.at[pl.ds(base + nfull * OB, tail_last)])


def _sc_body(vvals, vidx, evals, eidx, zv, vout, eout,
             vacc, eacc, zb, val_b, idx_b, ob, sem):
    core = lax.axis_index("core")
    sid = lax.axis_index("subcore")
    pltpu.sync_copy(zv, zb)

    @pl.when(core == 0)
    def _vertex():
        _seg_scatter(vvals, vidx, vout, vacc, zb, val_b, idx_b, ob, sem, sid,
                     TR_V, VACC_T, NV)

    @pl.when(core == 1)
    def _edge():
        _seg_scatter(evals, eidx, eout, eacc, zb, val_b, idx_b, ob, sem, sid,
                     TR_E, EACC_T, 2 * NE)


@functools.cache
def _sc_call():
    mesh = plsc.VectorSubcoreMesh(core_axis_name="core", subcore_axis_name="subcore",
                                  num_cores=2, num_subcores=NT)
    return pl.kernel(
        _sc_body,
        out_type=(
            jax.ShapeDtypeStruct((NV,), jnp.float32),
            jax.ShapeDtypeStruct((2 * NE,), jnp.float32),
        ),
        mesh=mesh,
        scratch_types=[
            pltpu.VMEM_SHARED((VACC_P,), jnp.float32),
            pltpu.VMEM_SHARED((EACC_P,), jnp.float32),
            pltpu.VMEM((ZB,), jnp.float32),
            pltpu.VMEM((CR, 128), jnp.float32),
            pltpu.VMEM((CR, 128), jnp.int32),
            pltpu.VMEM((OB,), jnp.float32),
            pltpu.SemaphoreType.DMA,
        ],
    )


def kernel(f_x, v_x, quad_weights, det_A, faces, faces_to_edges,
           faces_to_edge_orientation):
    vert_vals, edge_vals, edge_widx, vert_idx, face_t = _tc_call(
        f_x, v_x, quad_weights.reshape(1, 16), det_A.reshape(1, C),
        faces_to_edge_orientation.T, faces_to_edges.T, faces.T)
    face_dofs = face_t.reshape(C, 1)

    vv = vert_vals.reshape(ROWS_V, 128)
    vi = vert_idx.reshape(ROWS_V, 128)
    ev = edge_vals.reshape(ROWS_E, 128)
    ei = edge_widx.reshape(ROWS_E, 128)
    zv = jnp.zeros((ZB,), jnp.float32)

    vertex_dofs, edge_flat = _sc_call()(vv, vi, ev, ei, zv)
    return (vertex_dofs, edge_flat.reshape(NE, 2), face_dofs)

# --- scband reference (transcript-rebuilt; emitter-appended) ---
"""Pipeline reference for scband-test-integral-26534307954888 (READ-ONLY COPY).

The authoritative reference and input builder live on the scoring server;
editing this copy changes nothing except your own understanding.
"""

import jax, jax.numpy as jnp
import numpy as np

NUM_CELLS = 500000
N_QUAD = 16
N_BASIS = 10
N_VERTICES = 250000
N_EDGES = 750000
DOFS_PER_VERTEX = 1
DOFS_PER_EDGE = 2
DOFS_PER_FACE = 1


def setup_inputs(seed: int = 0) -> dict:
    key = jax.random.key(seed)
    ks = jax.random.split(key, 7)
    f_x = jax.random.normal(ks[0], (NUM_CELLS, N_QUAD), dtype=jnp.float32)
    v_x = jax.random.normal(ks[1], (N_BASIS, N_QUAD), dtype=jnp.float32)
    quad_weights = jax.random.uniform(ks[2], (N_QUAD,), dtype=jnp.float32)
    det_A = jax.random.uniform(ks[3], (NUM_CELLS,), dtype=jnp.float32) + 0.1
    faces = jax.random.randint(ks[4], (NUM_CELLS, 3), 0, N_VERTICES, dtype=jnp.int32)
    faces_to_edges = jax.random.randint(ks[5], (NUM_CELLS, 3), 0, N_EDGES, dtype=jnp.int32)
    faces_to_edge_orientation = jax.random.randint(ks[6], (NUM_CELLS, 3), 0, 2, dtype=jnp.int32)
    return {
        "f_x": f_x,
        "v_x": v_x,
        "quad_weights": quad_weights,
        "det_A": det_A,
        "faces": faces,
        "faces_to_edges": faces_to_edges,
        "faces_to_edge_orientation": faces_to_edge_orientation,
    }


def reference(f_x, v_x, quad_weights, det_A, faces, faces_to_edges, faces_to_edge_orientation):
    # I_x[c, b, q] = f(x_q in cell c) * v_b(x_q)
    I_x = f_x[:, None, :] * v_x[None, :, :]
    I_x = I_x * quad_weights[None, None, :]
    I_x = jnp.sum(I_x, axis=2) * det_A[:, None]  # [NUM_CELLS, N_BASIS]

    # vertex dofs: scatter-add per-cell vertex contributions onto global vertices
    I_x_vertex = I_x[:, 0:3 * DOFS_PER_VERTEX]
    vertex_dofs = jax.ops.segment_sum(
        I_x_vertex.reshape(-1), faces.reshape(-1), num_segments=N_VERTICES
    )

    # edge dofs: orientation-corrected scatter-add onto global edges
    edge_start = 3 * DOFS_PER_VERTEX
    edge_end = edge_start + 3 * DOFS_PER_EDGE
    I_x_edge = I_x[:, edge_start:edge_end].reshape(NUM_CELLS, 3, DOFS_PER_EDGE)
    o = faces_to_edge_orientation[:, :, None].astype(I_x_edge.dtype)
    I_x_edge = I_x_edge * o + (1.0 - o) * jnp.flip(I_x_edge, axis=2)
    I_x_edge = I_x_edge.reshape(NUM_CELLS * 3, DOFS_PER_EDGE)
    edge_dofs = jax.ops.segment_sum(
        I_x_edge, faces_to_edges.reshape(-1), num_segments=N_EDGES
    )

    # face dofs: no scatter needed (one face per cell)
    face_dofs = I_x[:, edge_end:]

    return (vertex_dofs, edge_dofs, face_dofs)

if __name__ == "__main__":
    import jax
    _d = setup_inputs()
    print(jax.jit(kernel)(*tuple(_d.values())))

</pallas_src>

<mosaic_0001>
#map = affine_map<(d0, d1) -> (0, 0)>
#map1 = affine_map<(d0, d1) -> (0)>
module attributes {stable_mosaic.version = 14 : i64} {
  func.func @_sc_body(%arg0: i32, %arg1: i32, %arg2: memref<11904x128xf32, #tpu.memory_space<hbm>>, %arg3: memref<11904x128xi32, #tpu.memory_space<hbm>>, %arg4: memref<23808x128xf32, #tpu.memory_space<hbm>>, %arg5: memref<23808x128xi32, #tpu.memory_space<hbm>>, %arg6: memref<4096xf32, #tpu.memory_space<hbm>>, %arg7: memref<250000xf32, #tpu.memory_space<hbm>>, %arg8: memref<1500000xf32, #tpu.memory_space<hbm>>, %arg9: memref<250112xf32, #tpu.memory_space<vmem_shared>>, %arg10: memref<1500160xf32, #tpu.memory_space<vmem_shared>>, %arg11: memref<4096xf32, #tpu.memory_space<vmem>>, %arg12: memref<24x128xf32, #tpu.memory_space<vmem>>, %arg13: memref<24x128xi32, #tpu.memory_space<vmem>>, %arg14: memref<8192xf32, #tpu.memory_space<vmem>>, %arg15: memref<!tpu.dma_semaphore, #tpu.memory_space<semaphore_mem>>) attributes {dimension_semantics = [#tpu.dimension_semantics<core_parallel>, #tpu.dimension_semantics<subcore_parallel>], iteration_bounds = array<i64: 2, 16>, scalar_prefetch = 0 : i64, scratch_operands = 7 : i64, tpu.core_type = #tpu.core_type<sc_vector_subcore>, window_params = [{transform_indices = #map}, {transform_indices = #map}, {transform_indices = #map}, {transform_indices = #map}, {transform_indices = #map1}, {transform_indices = #map1}, {transform_indices = #map1}]} {
    "tpu.region"() ({
      %run_scoped3A = tpu.sem_alloc : memref<!tpu.dma_semaphore, #tpu.memory_space<semaphore_mem>>
      tpu.enqueue_dma source(%arg6 : memref<4096xf32, #tpu.memory_space<hbm>>) target(%arg11 : memref<4096xf32, #tpu.memory_space<vmem>>) target_semaphore(%run_scoped3A : memref<!tpu.dma_semaphore, #tpu.memory_space<semaphore_mem>>)
      tpu.wait_dma2 semaphore(%run_scoped3A : memref<!tpu.dma_semaphore, #tpu.memory_space<semaphore_mem>>) src(%arg6 : memref<4096xf32, #tpu.memory_space<hbm>>) dst(%arg11 : memref<4096xf32, #tpu.memory_space<vmem>>)
      tpu.yield
    }) : () -> ()
    %eq3A = arith.constant 0 : i32
    %eq3A_0 = arith.cmpi eq, %arg0, %eq3A : i32
    %convert_element_type3A = arith.extui %eq3A_0 : i1 to i32
    %cond3A = arith.constant 0 : i32
    %cond3A_1 = arith.cmpi ne, %convert_element_type3A, %cond3A : i32
    scf.if %cond3A_1 {
      %mul3A = arith.constant 15632 : i32
      %mul3A_7 = arith.muli %arg1, %mul3A : i32
      %mul3A_8 = arith.constant 744 : i32
      %mul3A_9 = arith.muli %arg1, %mul3A_8 : i32
      %scan3A = arith.constant 0 : i32
      %scan3A_10 = arith.constant 3 : i32
      %scan3A_11 = arith.addi %scan3A, %scan3A_10 : i32
      %scan3A_12 = arith.constant 1 : i32
      scf.for %scan3A_42 = %scan3A to %scan3A_11 step %scan3A_12  : i32 {
        %mul3A_43 = arith.constant 1 : i32
        %mul3A_44 = arith.muli %scan3A_42, %mul3A_43 : i32
        %add3A_45 = arith.constant 0 : i32
        %add3A_46 = arith.addi %add3A_45, %mul3A_44 : i32
        %mul3A_47 = arith.constant 4096 : i32
        %mul3A_48 = arith.muli %add3A_46, %mul3A_47 : i32
        %add3A_49 = arith.addi %mul3A_7, %mul3A_48 : i32
        "tpu.region"() ({
          %run_scoped3A = tpu.sem_alloc : memref<!tpu.dma_semaphore, #tpu.memory_space<semaphore_mem>>
          %dma_start3A = tpu.memref_slice %arg9[%add3A_49] : memref<250112xf32, #tpu.memory_space<vmem_shared>> -> memref<4096xf32, #tpu.memory_space<vmem_shared>>
          %dma_start3A_50 = tpu.memref_slice %arg9[%add3A_49] : memref<250112xf32, #tpu.memory_space<vmem_shared>> -> memref<4096xf32, #tpu.memory_space<vmem_shared>>
          tpu.enqueue_dma source(%arg11 : memref<4096xf32, #tpu.memory_space<vmem>>) target(%dma_start3A_50 : memref<4096xf32, #tpu.memory_space<vmem_shared>>) target_semaphore(%run_scoped3A : memref<!tpu.dma_semaphore, #tpu.memory_space<semaphore_mem>>)
          %dma_wait3A = tpu.memref_slice %arg9[%add3A_49] : memref<250112xf32, #tpu.memory_space<vmem_shared>> -> memref<4096xf32, #tpu.memory_space<vmem_shared>>
          %dma_wait3A_51 = tpu.memref_slice %arg9[%add3A_49] : memref<250112xf32, #tpu.memory_space<vmem_shared>> -> memref<4096xf32, #tpu.memory_space<vmem_shared>>
          tpu.wait_dma2 semaphore(%run_scoped3A : memref<!tpu.dma_semaphore, #tpu.memory_space<semaphore_mem>>) src(%arg11 : memref<4096xf32, #tpu.memory_space<vmem>>) dst(%dma_wait3A_51 : memref<4096xf32, #tpu.memory_space<vmem_shared>>)
          tpu.yield
        }) : () -> ()
      }
      %scan3A_13 = arith.constant 3 : i32
      %add3A = arith.constant 12288 : i32
      %add3A_14 = arith.addi %mul3A_7, %add3A : i32
      "tpu.region"() ({
        %run_scoped3A = tpu.sem_alloc : memref<!tpu.dma_semaphore, #tpu.memory_space<semaphore_mem>>
        %dma_start3A = arith.constant 0 : i32
        %dma_start3A_42 = tpu.memref_slice %arg11[%dma_start3A] : memref<4096xf32, #tpu.memory_space<vmem>> -> memref<3344xf32, #tpu.memory_space<vmem>>
        %dma_start3A_43 = tpu.memref_slice %arg9[%add3A_14] : memref<250112xf32, #tpu.memory_space<vmem_shared>> -> memref<3344xf32, #tpu.memory_space<vmem_shared>>
        %dma_start3A_44 = tpu.memref_slice %arg9[%add3A_14] : memref<250112xf32, #tpu.memory_space<vmem_shared>> -> memref<3344xf32, #tpu.memory_space<vmem_shared>>
        %dma_start3A_45 = arith.constant 0 : i32
        %dma_start3A_46 = tpu.memref_slice %arg11[%dma_start3A_45] : memref<4096xf32, #tpu.memory_space<vmem>> -> memref<3344xf32, #tpu.memory_space<vmem>>
        tpu.enqueue_dma source(%dma_start3A_46 : memref<3344xf32, #tpu.memory_space<vmem>>) target(%dma_start3A_44 : memref<3344xf32, #tpu.memory_space<vmem_shared>>) target_semaphore(%run_scoped3A : memref<!tpu.dma_semaphore, #tpu.memory_space<semaphore_mem>>)
        %dma_wait3A = arith.constant 0 : i32
        %dma_wait3A_47 = tpu.memref_slice %arg11[%dma_wait3A] : memref<4096xf32, #tpu.memory_space<vmem>> -> memref<3344xf32, #tpu.memory_space<vmem>>
        %dma_wait3A_48 = tpu.memref_slice %arg9[%add3A_14] : memref<250112xf32, #tpu.memory_space<vmem_shared>> -> memref<3344xf32, #tpu.memory_space<vmem_shared>>
        %dma_wait3A_49 = tpu.memref_slice %arg9[%add3A_14] : memref<250112xf32, #tpu.memory_space<vmem_shared>> -> memref<3344xf32, #tpu.memory_space<vmem_shared>>
        %dma_wait3A_50 = arith.constant 0 : i32
        %dma_wait3A_51 = tpu.memref_slice %arg11[%dma_wait3A_50] : memref<4096xf32, #tpu.memory_space<vmem>> -> memref<3344xf32, #tpu.memory_space<vmem>>
        tpu.wait_dma2 semaphore(%run_scoped3A : memref<!tpu.dma_semaphore, #tpu.memory_space<semaphore_mem>>) src(%dma_wait3A_51 : memref<3344xf32, #tpu.memory_space<vmem>>) dst(%dma_wait3A_49 : memref<3344xf32, #tpu.memory_space<vmem_shared>>)
        tpu.yield
      }) : () -> ()
      %barrier3A = arith.constant 0 : index
      tpu.barrier barrier_id(%barrier3A)
      %scan3A_15 = arith.constant 0 : i32
      %scan3A_16 = arith.constant 31 : i32
      %scan3A_17 = arith.addi %scan3A_15, %scan3A_16 : i32
      %scan3A_18 = arith.constant 1 : i32
      scf.for %scan3A_42 = %scan3A_15 to %scan3A_17 step %scan3A_18  : i32 {
        %mul3A_43 = arith.constant 24 : i32
        %mul3A_44 = arith.muli %scan3A_42, %mul3A_43 : i32
        %add3A_45 = arith.constant 0 : i32
        %add3A_46 = arith.addi %add3A_45, %mul3A_44 : i32
        %add3A_47 = arith.addi %mul3A_9, %add3A_46 : i32
        "tpu.region"() ({
          %run_scoped3A = tpu.sem_alloc : memref<!tpu.dma_semaphore, #tpu.memory_space<semaphore_mem>>
          %dma_start3A = arith.constant 0 : i32
          %dma_start3A_59 = tpu.memref_slice %arg2[%add3A_47, %dma_start3A] : memref<11904x128xf32, #tpu.memory_space<hbm>> -> memref<24x128xf32, #tpu.memory_space<hbm>>
          %dma_start3A_60 = arith.constant 0 : i32
          %dma_start3A_61 = tpu.memref_slice %arg2[%add3A_47, %dma_start3A_60] : memref<11904x128xf32, #tpu.memory_space<hbm>> -> memref<24x128xf32, #tpu.memory_space<hbm>>
          tpu.enqueue_dma source(%dma_start3A_61 : memref<24x128xf32, #tpu.memory_space<hbm>>) target(%arg12 : memref<24x128xf32, #tpu.memory_space<vmem>>) target_semaphore(%run_scoped3A : memref<!tpu.dma_semaphore, #tpu.memory_space<semaphore_mem>>)
          %dma_wait3A = arith.constant 0 : i32
          %dma_wait3A_62 = tpu.memref_slice %arg2[%add3A_47, %dma_wait3A] : memref<11904x128xf32, #tpu.memory_space<hbm>> -> memref<24x128xf32, #tpu.memory_space<hbm>>
          %dma_wait3A_63 = arith.constant 0 : i32
          %dma_wait3A_64 = tpu.memref_slice %arg2[%add3A_47, %dma_wait3A_63] : memref<11904x128xf32, #tpu.memory_space<hbm>> -> memref<24x128xf32, #tpu.memory_space<hbm>>
          tpu.wait_dma2 semaphore(%run_scoped3A : memref<!tpu.dma_semaphore, #tpu.memory_space<semaphore_mem>>) src(%dma_wait3A_64 : memref<24x128xf32, #tpu.memory_space<hbm>>) dst(%arg12 : memref<24x128xf32, #tpu.memory_space<vmem>>)
          tpu.yield
        }) : () -> ()
        %add3A_48 = arith.addi %mul3A_9, %add3A_46 : i32
        "tpu.region"() ({
          %run_scoped3A = tpu.sem_alloc : memref<!tpu.dma_semaphore, #tpu.memory_space<semaphore_mem>>
          %dma_start3A = arith.constant 0 : i32
          %dma_start3A_59 = tpu.memref_slice %arg3[%add3A_48, %dma_start3A] : memref<11904x128xi32, #tpu.memory_space<hbm>> -> memref<24x128xi32, #tpu.memory_space<hbm>>
          %dma_start3A_60 = arith.constant 0 : i32
          %dma_start3A_61 = tpu.memref_slice %arg3[%add3A_48, %dma_start3A_60] : memref<11904x128xi32, #tpu.memory_space<hbm>> -> memref<24x128xi32, #tpu.memory_space<hbm>>
          tpu.enqueue_dma source(%dma_start3A_61 : memref<24x128xi32, #tpu.memory_space<hbm>>) target(%arg13 : memref<24x128xi32, #tpu.memory_space<vmem>>) target_semaphore(%run_scoped3A : memref<!tpu.dma_semaphore, #tpu.memory_space<semaphore_mem>>)
          %dma_wait3A = arith.constant 0 : i32
          %dma_wait3A_62 = tpu.memref_slice %arg3[%add3A_48, %dma_wait3A] : memref<11904x128xi32, #tpu.memory_space<hbm>> -> memref<24x128xi32, #tpu.memory_space<hbm>>
          %dma_wait3A_63 = arith.constant 0 : i32
          %dma_wait3A_64 = tpu.memref_slice %arg3[%add3A_48, %dma_wait3A_63] : memref<11904x128xi32, #tpu.memory_space<hbm>> -> memref<24x128xi32, #tpu.memory_space<hbm>>
          tpu.wait_dma2 semaphore(%run_scoped3A : memref<!tpu.dma_semaphore, #tpu.memory_space<semaphore_mem>>) src(%dma_wait3A_64 : memref<24x128xi32, #tpu.memory_space<hbm>>) dst(%arg13 : memref<24x128xi32, #tpu.memory_space<vmem>>)
          tpu.yield
        }) : () -> ()
        %scan3A_49 = arith.constant 0 : i32
        %scan3A_50 = arith.constant 24 : i32
        %scan3A_51 = arith.addi %scan3A_49, %scan3A_50 : i32
        %scan3A_52 = arith.constant 1 : i32
        scf.for %scan3A_59 = %scan3A_49 to %scan3A_51 step %scan3A_52  : i32 {
          %mul3A_60 = arith.constant 1 : i32
          %mul3A_61 = arith.muli %scan3A_59, %mul3A_60 : i32
          %add3A_62 = arith.constant 0 : i32
          %add3A_63 = arith.addi %add3A_62, %mul3A_61 : i32
          %dma_start3A = arith.constant 0 : i32
          %dma_start3A_64 = tpu.memref_slice %arg12[%add3A_63, %dma_start3A] : memref<24x128xf32, #tpu.memory_space<vmem>> -> memref<1x128xf32, #tpu.memory_space<vmem>>
          %dma_start3A_65 = tpu.memref_squeeze %dma_start3A_64 : memref<1x128xf32, #tpu.memory_space<vmem>> -> memref<128xf32, #tpu.memory_space<vmem>>
          %dma_start3A_66 = arith.constant 0 : i32
          %dma_start3A_67 = tpu.memref_slice %arg13[%add3A_63, %dma_start3A_66] : memref<24x128xi32, #tpu.memory_space<vmem>> -> memref<1x128xi32, #tpu.memory_space<vmem>>
          %dma_start3A_68 = tpu.memref_squeeze %dma_start3A_67 : memref<1x128xi32, #tpu.memory_space<vmem>> -> memref<128xi32, #tpu.memory_space<vmem>>
          %dma_start3A_69 = arith.constant 0 : i32
          %dma_start3A_70 = tpu.memref_slice %arg9[%dma_start3A_69] : memref<250112xf32, #tpu.memory_space<vmem_shared>> -> memref<250112xf32, #tpu.memory_space<vmem_shared>>
          tpu.enqueue_indirect_dma source(%dma_start3A_65 : memref<128xf32, #tpu.memory_space<vmem>>) target(%dma_start3A_70 : memref<250112xf32, #tpu.memory_space<vmem_shared>>) offsets(%dma_start3A_68 : memref<128xi32, #tpu.memory_space<vmem>>) semaphore(%arg15 : memref<!tpu.dma_semaphore, #tpu.memory_space<semaphore_mem>>) {add = true}
        }
        %scan3A_53 = arith.constant 24 : i32
        %scan3A_54 = arith.constant 0 : i32
        %scan3A_55 = arith.constant 24 : i32
        %scan3A_56 = arith.addi %scan3A_54, %scan3A_55 : i32
        %scan3A_57 = arith.constant 1 : i32
        scf.for %scan3A_59 = %scan3A_54 to %scan3A_56 step %scan3A_57  : i32 {
          %mul3A_60 = arith.constant 1 : i32
          %mul3A_61 = arith.muli %scan3A_59, %mul3A_60 : i32
          %add3A_62 = arith.constant 0 : i32
          %add3A_63 = arith.addi %add3A_62, %mul3A_61 : i32
          %dma_wait3A = arith.constant 0 : i32
          %dma_wait3A_64 = tpu.memref_slice %arg12[%add3A_63, %dma_wait3A] : memref<24x128xf32, #tpu.memory_space<vmem>> -> memref<1x128xf32, #tpu.memory_space<vmem>>
          %dma_wait3A_65 = tpu.memref_squeeze %dma_wait3A_64 : memref<1x128xf32, #tpu.memory_space<vmem>> -> memref<128xf32, #tpu.memory_space<vmem>>
          %dma_wait3A_66 = arith.constant 0 : i32
          %dma_wait3A_67 = tpu.memref_slice %arg13[%add3A_63, %dma_wait3A_66] : memref<24x128xi32, #tpu.memory_space<vmem>> -> memref<1x128xi32, #tpu.memory_space<vmem>>
          %dma_wait3A_68 = tpu.memref_squeeze %dma_wait3A_67 : memref<1x128xi32, #tpu.memory_space<vmem>> -> memref<128xi32, #tpu.memory_space<vmem>>
          %dma_wait3A_69 = arith.constant 0 : i32
          %dma_wait3A_70 = tpu.memref_slice %arg9[%dma_wait3A_69] : memref<250112xf32, #tpu.memory_space<vmem_shared>> -> memref<250112xf32, #tpu.memory_space<vmem_shared>>
          tpu.wait_indirect_dma semaphore(%arg15 : memref<!tpu.dma_semaphore, #tpu.memory_space<semaphore_mem>>) src(%dma_wait3A_65 : memref<128xf32, #tpu.memory_space<vmem>>) dst(%dma_wait3A_70 : memref<250112xf32, #tpu.memory_space<vmem_shared>>)
        }
        %scan3A_58 = arith.constant 24 : i32
      }
      %scan3A_19 = arith.constant 31 : i32
      %barrier3A_20 = arith.constant 0 : index
      tpu.barrier barrier_id(%barrier3A_20)
      %scan3A_21 = arith.constant 0 : i32
      %mul3A_22 = arith.constant 1 : i32
      %mul3A_23 = arith.muli %scan3A_21, %mul3A_22 : i32
      %add3A_24 = arith.constant 0 : i32
      %add3A_25 = arith.addi %add3A_24, %mul3A_23 : i32
      %mul3A_26 = arith.constant 8192 : i32
      %mul3A_27 = arith.muli %add3A_25, %mul3A_26 : i32
      %add3A_28 = arith.addi %mul3A_7, %mul3A_27 : i32
      "tpu.region"() ({
        %run_scoped3A = tpu.sem_alloc : memref<!tpu.dma_semaphore, #tpu.memory_space<semaphore_mem>>
        %dma_start3A = tpu.memref_slice %arg9[%add3A_28] : memref<250112xf32, #tpu.memory_space<vmem_shared>> -> memref<8192xf32, #tpu.memory_space<vmem_shared>>
        %dma_start3A_42 = tpu.memref_slice %arg9[%add3A_28] : memref<250112xf32, #tpu.memory_space<vmem_shared>> -> memref<8192xf32, #tpu.memory_space<vmem_shared>>
        tpu.enqueue_dma source(%dma_start3A_42 : memref<8192xf32, #tpu.memory_space<vmem_shared>>) target(%arg14 : memref<8192xf32, #tpu.memory_space<vmem>>) target_semaphore(%run_scoped3A : memref<!tpu.dma_semaphore, #tpu.memory_space<semaphore_mem>>)
        %dma_wait3A = tpu.memref_slice %arg9[%add3A_28] : memref<250112xf32, #tpu.memory_space<vmem_shared>> -> memref<8192xf32, #tpu.memory_space<vmem_shared>>
        %dma_wait3A_43 = tpu.memref_slice %arg9[%add3A_28] : memref<250112xf32, #tpu.memory_space<vmem_shared>> -> memref<8192xf32, #tpu.memory_space<vmem_shared>>
        tpu.wait_dma2 semaphore(%run_scoped3A : memref<!tpu.dma_semaphore, #tpu.memory_space<semaphore_mem>>) src(%dma_wait3A_43 : memref<8192xf32, #tpu.memory_space<vmem_shared>>) dst(%arg14 : memref<8192xf32, #tpu.memory_space<vmem>>)
        tpu.yield
      }) : () -> ()
      %mul3A_29 = arith.constant 8192 : i32
      %mul3A_30 = arith.muli %add3A_25, %mul3A_29 : i32
      %add3A_31 = arith.addi %mul3A_7, %mul3A_30 : i32
      "tpu.region"() ({
        %run_scoped3A = tpu.sem_alloc : memref<!tpu.dma_semaphore, #tpu.memory_space<semaphore_mem>>
        %dma_start3A = tpu.memref_slice %arg7[%add3A_31] : memref<250000xf32, #tpu.memory_space<hbm>> -> memref<8192xf32, #tpu.memory_space<hbm>>
        %dma_start3A_42 = tpu.memref_slice %arg7[%add3A_31] : memref<250000xf32, #tpu.memory_space<hbm>> -> memref<8192xf32, #tpu.memory_space<hbm>>
        tpu.enqueue_dma source(%arg14 : memref<8192xf32, #tpu.memory_space<vmem>>) target(%dma_start3A_42 : memref<8192xf32, #tpu.memory_space<hbm>>) target_semaphore(%run_scoped3A : memref<!tpu.dma_semaphore, #tpu.memory_space<semaphore_mem>>)
        %dma_wait3A = tpu.memref_slice %arg7[%add3A_31] : memref<250000xf32, #tpu.memory_space<hbm>> -> memref<8192xf32, #tpu.memory_space<hbm>>
        %dma_wait3A_43 = tpu.memref_slice %arg7[%add3A_31] : memref<250000xf32, #tpu.memory_space<hbm>> -> memref<8192xf32, #tpu.memory_space<hbm>>
        tpu.wait_dma2 semaphore(%run_scoped3A : memref<!tpu.dma_semaphore, #tpu.memory_space<semaphore_mem>>) src(%arg14 : memref<8192xf32, #tpu.memory_space<vmem>>) dst(%dma_wait3A_43 : memref<8192xf32, #tpu.memory_space<hbm>>)
        tpu.yield
      }) : () -> ()
      %scan3A_32 = arith.constant 1 : i32
      %lt3A = arith.constant 15 : i32
      %lt3A_33 = arith.cmpi slt, %arg1, %lt3A : i32
      %convert_element_type3A_34 = arith.extui %lt3A_33 : i1 to i32
      %cond3A_35 = arith.constant 0 : i32
      %cond3A_36 = arith.cmpi ne, %convert_element_type3A_34, %cond3A_35 : i32
      scf.if %cond3A_36 {
        %add3A_42 = arith.constant 8192 : i32
        %add3A_43 = arith.addi %mul3A_7, %add3A_42 : i32
        "tpu.region"() ({
          %run_scoped3A = tpu.sem_alloc : memref<!tpu.dma_semaphore, #tpu.memory_space<semaphore_mem>>
          %dma_start3A = arith.constant 0 : i32
          %dma_start3A_46 = tpu.memref_slice %arg14[%dma_start3A] : memref<8192xf32, #tpu.memory_space<vmem>> -> memref<7440xf32, #tpu.memory_space<vmem>>
          %dma_start3A_47 = tpu.memref_slice %arg9[%add3A_43] : memref<250112xf32, #tpu.memory_space<vmem_shared>> -> memref<7440xf32, #tpu.memory_space<vmem_shared>>
          %dma_start3A_48 = arith.constant 0 : i32
          %dma_start3A_49 = tpu.memref_slice %arg14[%dma_start3A_48] : memref<8192xf32, #tpu.memory_space<vmem>> -> memref<7440xf32, #tpu.memory_space<vmem>>
          %dma_start3A_50 = tpu.memref_slice %arg9[%add3A_43] : memref<250112xf32, #tpu.memory_space<vmem_shared>> -> memref<7440xf32, #tpu.memory_space<vmem_shared>>
          tpu.enqueue_dma source(%dma_start3A_50 : memref<7440xf32, #tpu.memory_space<vmem_shared>>) target(%dma_start3A_49 : memref<7440xf32, #tpu.memory_space<vmem>>) target_semaphore(%run_scoped3A : memref<!tpu.dma_semaphore, #tpu.memory_space<semaphore_mem>>)
          %dma_wait3A = arith.constant 0 : i32
          %dma_wait3A_51 = tpu.memref_slice %arg14[%dma_wait3A] : memref<8192xf32, #tpu.memory_space<vmem>> -> memref<7440xf32, #tpu.memory_space<vmem>>
          %dma_wait3A_52 = tpu.memref_slice %arg9[%add3A_43] : memref<250112xf32, #tpu.memory_space<vmem_shared>> -> memref<7440xf32, #tpu.memory_space<vmem_shared>>
          %dma_wait3A_53 = arith.constant 0 : i32
          %dma_wait3A_54 = tpu.memref_slice %arg14[%dma_wait3A_53] : memref<8192xf32, #tpu.memory_space<vmem>> -> memref<7440xf32, #tpu.memory_space<vmem>>
          %dma_wait3A_55 = tpu.memref_slice %arg9[%add3A_43] : memref<250112xf32, #tpu.memory_space<vmem_shared>> -> memref<7440xf32, #tpu.memory_space<vmem_shared>>
          tpu.wait_dma2 semaphore(%run_scoped3A : memref<!tpu.dma_semaphore, #tpu.memory_space<semaphore_mem>>) src(%dma_wait3A_55 : memref<7440xf32, #tpu.memory_space<vmem_shared>>) dst(%dma_wait3A_54 : memref<7440xf32, #tpu.memory_space<vmem>>)
          tpu.yield
        }) : () -> ()
        %add3A_44 = arith.constant 8192 : i32
        %add3A_45 = arith.addi %mul3A_7, %add3A_44 : i32
        "tpu.region"() ({
          %run_scoped3A = tpu.sem_alloc : memref<!tpu.dma_semaphore, #tpu.memory_space<semaphore_mem>>
          %dma_start3A = arith.constant 0 : i32
          %dma_start3A_46 = tpu.memref_slice %arg14[%dma_start3A] : memref<8192xf32, #tpu.memory_space<vmem>> -> memref<7440xf32, #tpu.memory_space<vmem>>
          %dma_start3A_47 = tpu.memref_slice %arg7[%add3A_45] : memref<250000xf32, #tpu.memory_space<hbm>> -> memref<7440xf32, #tpu.memory_space<hbm>>
          %dma_start3A_48 = tpu.memref_slice %arg7[%add3A_45] : memref<250000xf32, #tpu.memory_space<hbm>> -> memref<7440xf32, #tpu.memory_space<hbm>>
          %dma_start3A_49 = arith.constant 0 : i32
          %dma_start3A_50 = tpu.memref_slice %arg14[%dma_start3A_49] : memref<8192xf32, #tpu.memory_space<vmem>> -> memref<7440xf32, #tpu.memory_space<vmem>>
          tpu.enqueue_dma source(%dma_start3A_50 : memref<7440xf32, #tpu.memory_space<vmem>>) target(%dma_start3A_48 : memref<7440xf32, #tpu.memory_space<hbm>>) target_semaphore(%run_scoped3A : memref<!tpu.dma_semaphore, #tpu.memory_space<semaphore_mem>>)
          %dma_wait3A = arith.constant 0 : i32
          %dma_wait3A_51 = tpu.memref_slice %arg14[%dma_wait3A] : memref<8192xf32, #tpu.memory_space<vmem>> -> memref<7440xf32, #tpu.memory_space<vmem>>
          %dma_wait3A_52 = tpu.memref_slice %arg7[%add3A_45] : memref<250000xf32, #tpu.memory_space<hbm>> -> memref<7440xf32, #tpu.memory_space<hbm>>
          %dma_wait3A_53 = tpu.memref_slice %arg7[%add3A_45] : memref<250000xf32, #tpu.memory_space<hbm>> -> memref<7440xf32, #tpu.memory_space<hbm>>
          %dma_wait3A_54 = arith.constant 0 : i32
          %dma_wait3A_55 = tpu.memref_slice %arg14[%dma_wait3A_54] : memref<8192xf32, #tpu.memory_space<vmem>> -> memref<7440xf32, #tpu.memory_space<vmem>>
          tpu.wait_dma2 semaphore(%run_scoped3A : memref<!tpu.dma_semaphore, #tpu.memory_space<semaphore_mem>>) src(%dma_wait3A_55 : memref<7440xf32, #tpu.memory_space<vmem>>) dst(%dma_wait3A_53 : memref<7440xf32, #tpu.memory_space<hbm>>)
          tpu.yield
        }) : () -> ()
      } else {
      }
      %eq3A_37 = arith.constant 15 : i32
      %eq3A_38 = arith.cmpi eq, %arg1, %eq3A_37 : i32
      %convert_element_type3A_39 = arith.extui %eq3A_38 : i1 to i32
      %cond3A_40 = arith.constant 0 : i32
      %cond3A_41 = arith.cmpi ne, %convert_element_type3A_39, %cond3A_40 : i32
      scf.if %cond3A_41 {
        %add3A_42 = arith.constant 8192 : i32
        %add3A_43 = arith.addi %mul3A_7, %add3A_42 : i32
        "tpu.region"() ({
          %run_scoped3A = tpu.sem_alloc : memref<!tpu.dma_semaphore, #tpu.memory_space<semaphore_mem>>
          %dma_start3A = arith.constant 0 : i32
          %dma_start3A_46 = tpu.memref_slice %arg14[%dma_start3A] : memref<8192xf32, #tpu.memory_space<vmem>> -> memref<7328xf32, #tpu.memory_space<vmem>>
          %dma_start3A_47 = tpu.memref_slice %arg9[%add3A_43] : memref<250112xf32, #tpu.memory_space<vmem_shared>> -> memref<7328xf32, #tpu.memory_space<vmem_shared>>
          %dma_start3A_48 = arith.constant 0 : i32
          %dma_start3A_49 = tpu.memref_slice %arg14[%dma_start3A_48] : memref<8192xf32, #tpu.memory_space<vmem>> -> memref<7328xf32, #tpu.memory_space<vmem>>
          %dma_start3A_50 = tpu.memref_slice %arg9[%add3A_43] : memref<250112xf32, #tpu.memory_space<vmem_shared>> -> memref<7328xf32, #tpu.memory_space<vmem_shared>>
          tpu.enqueue_dma source(%dma_start3A_50 : memref<7328xf32, #tpu.memory_space<vmem_shared>>) target(%dma_start3A_49 : memref<7328xf32, #tpu.memory_space<vmem>>) target_semaphore(%run_scoped3A : memref<!tpu.dma_semaphore, #tpu.memory_space<semaphore_mem>>)
          %dma_wait3A = arith.constant 0 : i32
          %dma_wait3A_51 = tpu.memref_slice %arg14[%dma_wait3A] : memref<8192xf32, #tpu.memory_space<vmem>> -> memref<7328xf32, #tpu.memory_space<vmem>>
          %dma_wait3A_52 = tpu.memref_slice %arg9[%add3A_43] : memref<250112xf32, #tpu.memory_space<vmem_shared>> -> memref<7328xf32, #tpu.memory_space<vmem_shared>>
          %dma_wait3A_53 = arith.constant 0 : i32
          %dma_wait3A_54 = tpu.memref_slice %arg14[%dma_wait3A_53] : memref<8192xf32, #tpu.memory_space<vmem>> -> memref<7328xf32, #tpu.memory_space<vmem>>
          %dma_wait3A_55 = tpu.memref_slice %arg9[%add3A_43] : memref<250112xf32, #tpu.memory_space<vmem_shared>> -> memref<7328xf32, #tpu.memory_space<vmem_shared>>
          tpu.wait_dma2 semaphore(%run_scoped3A : memref<!tpu.dma_semaphore, #tpu.memory_space<semaphore_mem>>) src(%dma_wait3A_55 : memref<7328xf32, #tpu.memory_space<vmem_shared>>) dst(%dma_wait3A_54 : memref<7328xf32, #tpu.memory_space<vmem>>)
          tpu.yield
        }) : () -> ()
        %add3A_44 = arith.constant 8192 : i32
        %add3A_45 = arith.addi %mul3A_7, %add3A_44 : i32
        "tpu.region"() ({
          %run_scoped3A = tpu.sem_alloc : memref<!tpu.dma_semaphore, #tpu.memory_space<semaphore_mem>>
          %dma_start3A = arith.constant 0 : i32
          %dma_start3A_46 = tpu.memref_slice %arg14[%dma_start3A] : memref<8192xf32, #tpu.memory_space<vmem>> -> memref<7328xf32, #tpu.memory_space<vmem>>
          %dma_start3A_47 = tpu.memref_slice %arg7[%add3A_45] : memref<250000xf32, #tpu.memory_space<hbm>> -> memref<7328xf32, #tpu.memory_space<hbm>>
          %dma_start3A_48 = tpu.memref_slice %arg7[%add3A_45] : memref<250000xf32, #tpu.memory_space<hbm>> -> memref<7328xf32, #tpu.memory_space<hbm>>
          %dma_start3A_49 = arith.constant 0 : i32
          %dma_start3A_50 = tpu.memref_slice %arg14[%dma_start3A_49] : memref<8192xf32, #tpu.memory_space<vmem>> -> memref<7328xf32, #tpu.memory_space<vmem>>
          tpu.enqueue_dma source(%dma_start3A_50 : memref<7328xf32, #tpu.memory_space<vmem>>) target(%dma_start3A_48 : memref<7328xf32, #tpu.memory_space<hbm>>) target_semaphore(%run_scoped3A : memref<!tpu.dma_semaphore, #tpu.memory_space<semaphore_mem>>)
          %dma_wait3A = arith.constant 0 : i32
          %dma_wait3A_51 = tpu.memref_slice %arg14[%dma_wait3A] : memref<8192xf32, #tpu.memory_space<vmem>> -> memref<7328xf32, #tpu.memory_space<vmem>>
          %dma_wait3A_52 = tpu.memref_slice %arg7[%add3A_45] : memref<250000xf32, #tpu.memory_space<hbm>> -> memref<7328xf32, #tpu.memory_space<hbm>>
          %dma_wait3A_53 = tpu.memref_slice %arg7[%add3A_45] : memref<250000xf32, #tpu.memory_space<hbm>> -> memref<7328xf32, #tpu.memory_space<hbm>>
          %dma_wait3A_54 = arith.constant 0 : i32
          %dma_wait3A_55 = tpu.memref_slice %arg14[%dma_wait3A_54] : memref<8192xf32, #tpu.memory_space<vmem>> -> memref<7328xf32, #tpu.memory_space<vmem>>
          tpu.wait_dma2 semaphore(%run_scoped3A : memref<!tpu.dma_semaphore, #tpu.memory_space<semaphore_mem>>) src(%dma_wait3A_55 : memref<7328xf32, #tpu.memory_space<vmem>>) dst(%dma_wait3A_53 : memref<7328xf32, #tpu.memory_space<hbm>>)
          tpu.yield
        }) : () -> ()
      } else {
      }
    } else {
    }
    %eq3A_2 = arith.constant 1 : i32
    %eq3A_3 = arith.cmpi eq, %arg0, %eq3A_2 : i32
    %convert_element_type3A_4 = arith.extui %eq3A_3 : i1 to i32
    %cond3A_5 = arith.constant 0 : i32
    %cond3A_6 = arith.cmpi ne, %convert_element_type3A_4, %cond3A_5 : i32
    scf.if %cond3A_6 {
      %mul3A = arith.constant 93760 : i32
      %mul3A_7 = arith.muli %arg1, %mul3A : i32
      %mul3A_8 = arith.constant 1488 : i32
      %mul3A_9 = arith.muli %arg1, %mul3A_8 : i32
      %scan3A = arith.constant 0 : i32
      %scan3A_10 = arith.constant 22 : i32
      %scan3A_11 = arith.addi %scan3A, %scan3A_10 : i32
      %scan3A_12 = arith.constant 1 : i32
      scf.for %scan3A_35 = %scan3A to %scan3A_11 step %scan3A_12  : i32 {
        %mul3A_36 = arith.constant 1 : i32
        %mul3A_37 = arith.muli %scan3A_35, %mul3A_36 : i32
        %add3A_38 = arith.constant 0 : i32
        %add3A_39 = arith.addi %add3A_38, %mul3A_37 : i32
        %mul3A_40 = arith.constant 4096 : i32
        %mul3A_41 = arith.muli %add3A_39, %mul3A_40 : i32
        %add3A_42 = arith.addi %mul3A_7, %mul3A_41 : i32
        "tpu.region"() ({
          %run_scoped3A = tpu.sem_alloc : memref<!tpu.dma_semaphore, #tpu.memory_space<semaphore_mem>>
          %dma_start3A = tpu.memref_slice %arg10[%add3A_42] : memref<1500160xf32, #tpu.memory_space<vmem_shared>> -> memref<4096xf32, #tpu.memory_space<vmem_shared>>
          %dma_start3A_43 = tpu.memref_slice %arg10[%add3A_42] : memref<1500160xf32, #tpu.memory_space<vmem_shared>> -> memref<4096xf32, #tpu.memory_space<vmem_shared>>
          tpu.enqueue_dma source(%arg11 : memref<4096xf32, #tpu.memory_space<vmem>>) target(%dma_start3A_43 : memref<4096xf32, #tpu.memory_space<vmem_shared>>) target_semaphore(%run_scoped3A : memref<!tpu.dma_semaphore, #tpu.memory_space<semaphore_mem>>)
          %dma_wait3A = tpu.memref_slice %arg10[%add3A_42] : memref<1500160xf32, #tpu.memory_space<vmem_shared>> -> memref<4096xf32, #tpu.memory_space<vmem_shared>>
          %dma_wait3A_44 = tpu.memref_slice %arg10[%add3A_42] : memref<1500160xf32, #tpu.memory_space<vmem_shared>> -> memref<4096xf32, #tpu.memory_space<vmem_shared>>
          tpu.wait_dma2 semaphore(%run_scoped3A : memref<!tpu.dma_semaphore, #tpu.memory_space<semaphore_mem>>) src(%arg11 : memref<4096xf32, #tpu.memory_space<vmem>>) dst(%dma_wait3A_44 : memref<4096xf32, #tpu.memory_space<vmem_shared>>)
          tpu.yield
        }) : () -> ()
      }
      %scan3A_13 = arith.constant 22 : i32
      %add3A = arith.constant 90112 : i32
      %add3A_14 = arith.addi %mul3A_7, %add3A : i32
      "tpu.region"() ({
        %run_scoped3A = tpu.sem_alloc : memref<!tpu.dma_semaphore, #tpu.memory_space<semaphore_mem>>
        %dma_start3A = arith.constant 0 : i32
        %dma_start3A_35 = tpu.memref_slice %arg11[%dma_start3A] : memref<4096xf32, #tpu.memory_space<vmem>> -> memref<3648xf32, #tpu.memory_space<vmem>>
        %dma_start3A_36 = tpu.memref_slice %arg10[%add3A_14] : memref<1500160xf32, #tpu.memory_space<vmem_shared>> -> memref<3648xf32, #tpu.memory_space<vmem_shared>>
        %dma_start3A_37 = tpu.memref_slice %arg10[%add3A_14] : memref<1500160xf32, #tpu.memory_space<vmem_shared>> -> memref<3648xf32, #tpu.memory_space<vmem_shared>>
        %dma_start3A_38 = arith.constant 0 : i32
        %dma_start3A_39 = tpu.memref_slice %arg11[%dma_start3A_38] : memref<4096xf32, #tpu.memory_space<vmem>> -> memref<3648xf32, #tpu.memory_space<vmem>>
        tpu.enqueue_dma source(%dma_start3A_39 : memref<3648xf32, #tpu.memory_space<vmem>>) target(%dma_start3A_37 : memref<3648xf32, #tpu.memory_space<vmem_shared>>) target_semaphore(%run_scoped3A : memref<!tpu.dma_semaphore, #tpu.memory_space<semaphore_mem>>)
        %dma_wait3A = arith.constant 0 : i32
        %dma_wait3A_40 = tpu.memref_slice %arg11[%dma_wait3A] : memref<4096xf32, #tpu.memory_space<vmem>> -> memref<3648xf32, #tpu.memory_space<vmem>>
        %dma_wait3A_41 = tpu.memref_slice %arg10[%add3A_14] : memref<1500160xf32, #tpu.memory_space<vmem_shared>> -> memref<3648xf32, #tpu.memory_space<vmem_shared>>
        %dma_wait3A_42 = tpu.memref_slice %arg10[%add3A_14] : memref<1500160xf32, #tpu.memory_space<vmem_shared>> -> memref<3648xf32, #tpu.memory_space<vmem_shared>>
        %dma_wait3A_43 = arith.constant 0 : i32
        %dma_wait3A_44 = tpu.memref_slice %arg11[%dma_wait3A_43] : memref<4096xf32, #tpu.memory_space<vmem>> -> memref<3648xf32, #tpu.memory_space<vmem>>
        tpu.wait_dma2 semaphore(%run_scoped3A : memref<!tpu.dma_semaphore, #tpu.memory_space<semaphore_mem>>) src(%dma_wait3A_44 : memref<3648xf32, #tpu.memory_space<vmem>>) dst(%dma_wait3A_42 : memref<3648xf32, #tpu.memory_space<vmem_shared>>)
        tpu.yield
      }) : () -> ()
      %barrier3A = arith.constant 0 : index
      tpu.barrier barrier_id(%barrier3A)
      %scan3A_15 = arith.constant 0 : i32
      %scan3A_16 = arith.constant 62 : i32
      %scan3A_17 = arith.addi %scan3A_15, %scan3A_16 : i32
      %scan3A_18 = arith.constant 1 : i32
      scf.for %scan3A_35 = %scan3A_15 to %scan3A_17 step %scan3A_18  : i32 {
        %mul3A_36 = arith.constant 24 : i32
        %mul3A_37 = arith.muli %scan3A_35, %mul3A_36 : i32
        %add3A_38 = arith.constant 0 : i32
        %add3A_39 = arith.addi %add3A_38, %mul3A_37 : i32
        %add3A_40 = arith.addi %mul3A_9, %add3A_39 : i32
        "tpu.region"() ({
          %run_scoped3A = tpu.sem_alloc : memref<!tpu.dma_semaphore, #tpu.memory_space<semaphore_mem>>
          %dma_start3A = arith.constant 0 : i32
          %dma_start3A_52 = tpu.memref_slice %arg4[%add3A_40, %dma_start3A] : memref<23808x128xf32, #tpu.memory_space<hbm>> -> memref<24x128xf32, #tpu.memory_space<hbm>>
          %dma_start3A_53 = arith.constant 0 : i32
          %dma_start3A_54 = tpu.memref_slice %arg4[%add3A_40, %dma_start3A_53] : memref<23808x128xf32, #tpu.memory_space<hbm>> -> memref<24x128xf32, #tpu.memory_space<hbm>>
          tpu.enqueue_dma source(%dma_start3A_54 : memref<24x128xf32, #tpu.memory_space<hbm>>) target(%arg12 : memref<24x128xf32, #tpu.memory_space<vmem>>) target_semaphore(%run_scoped3A : memref<!tpu.dma_semaphore, #tpu.memory_space<semaphore_mem>>)
          %dma_wait3A = arith.constant 0 : i32
          %dma_wait3A_55 = tpu.memref_slice %arg4[%add3A_40, %dma_wait3A] : memref<23808x128xf32, #tpu.memory_space<hbm>> -> memref<24x128xf32, #tpu.memory_space<hbm>>
          %dma_wait3A_56 = arith.constant 0 : i32
          %dma_wait3A_57 = tpu.memref_slice %arg4[%add3A_40, %dma_wait3A_56] : memref<23808x128xf32, #tpu.memory_space<hbm>> -> memref<24x128xf32, #tpu.memory_space<hbm>>
          tpu.wait_dma2 semaphore(%run_scoped3A : memref<!tpu.dma_semaphore, #tpu.memory_space<semaphore_mem>>) src(%dma_wait3A_57 : memref<24x128xf32, #tpu.memory_space<hbm>>) dst(%arg12 : memref<24x128xf32, #tpu.memory_space<vmem>>)
          tpu.yield
        }) : () -> ()
        %add3A_41 = arith.addi %mul3A_9, %add3A_39 : i32
        "tpu.region"() ({
          %run_scoped3A = tpu.sem_alloc : memref<!tpu.dma_semaphore, #tpu.memory_space<semaphore_mem>>
          %dma_start3A = arith.constant 0 : i32
          %dma_start3A_52 = tpu.memref_slice %arg5[%add3A_41, %dma_start3A] : memref<23808x128xi32, #tpu.memory_space<hbm>> -> memref<24x128xi32, #tpu.memory_space<hbm>>
          %dma_start3A_53 = arith.constant 0 : i32
          %dma_start3A_54 = tpu.memref_slice %arg5[%add3A_41, %dma_start3A_53] : memref<23808x128xi32, #tpu.memory_space<hbm>> -> memref<24x128xi32, #tpu.memory_space<hbm>>
          tpu.enqueue_dma source(%dma_start3A_54 : memref<24x128xi32, #tpu.memory_space<hbm>>) target(%arg13 : memref<24x128xi32, #tpu.memory_space<vmem>>) target_semaphore(%run_scoped3A : memref<!tpu.dma_semaphore, #tpu.memory_space<semaphore_mem>>)
          %dma_wait3A = arith.constant 0 : i32
          %dma_wait3A_55 = tpu.memref_slice %arg5[%add3A_41, %dma_wait3A] : memref<23808x128xi32, #tpu.memory_space<hbm>> -> memref<24x128xi32, #tpu.memory_space<hbm>>
          %dma_wait3A_56 = arith.constant 0 : i32
          %dma_wait3A_57 = tpu.memref_slice %arg5[%add3A_41, %dma_wait3A_56] : memref<23808x128xi32, #tpu.memory_space<hbm>> -> memref<24x128xi32, #tpu.memory_space<hbm>>
          tpu.wait_dma2 semaphore(%run_scoped3A : memref<!tpu.dma_semaphore, #tpu.memory_space<semaphore_mem>>) src(%dma_wait3A_57 : memref<24x128xi32, #tpu.memory_space<hbm>>) dst(%arg13 : memref<24x128xi32, #tpu.memory_space<vmem>>)
          tpu.yield
        }) : () -> ()
        %scan3A_42 = arith.constant 0 : i32
        %scan3A_43 = arith.constant 24 : i32
        %scan3A_44 = arith.addi %scan3A_42, %scan3A_43 : i32
        %scan3A_45 = arith.constant 1 : i32
        scf.for %scan3A_52 = %scan3A_42 to %scan3A_44 step %scan3A_45  : i32 {
          %mul3A_53 = arith.constant 1 : i32
          %mul3A_54 = arith.muli %scan3A_52, %mul3A_53 : i32
          %add3A_55 = arith.constant 0 : i32
          %add3A_56 = arith.addi %add3A_55, %mul3A_54 : i32
          %dma_start3A = arith.constant 0 : i32
          %dma_start3A_57 = tpu.memref_slice %arg12[%add3A_56, %dma_start3A] : memref<24x128xf32, #tpu.memory_space<vmem>> -> memref<1x128xf32, #tpu.memory_space<vmem>>
          %dma_start3A_58 = tpu.memref_squeeze %dma_start3A_57 : memref<1x128xf32, #tpu.memory_space<vmem>> -> memref<128xf32, #tpu.memory_space<vmem>>
          %dma_start3A_59 = arith.constant 0 : i32
          %dma_start3A_60 = tpu.memref_slice %arg13[%add3A_56, %dma_start3A_59] : memref<24x128xi32, #tpu.memory_space<vmem>> -> memref<1x128xi32, #tpu.memory_space<vmem>>
          %dma_start3A_61 = tpu.memref_squeeze %dma_start3A_60 : memref<1x128xi32, #tpu.memory_space<vmem>> -> memref<128xi32, #tpu.memory_space<vmem>>
          %dma_start3A_62 = arith.constant 0 : i32
          %dma_start3A_63 = tpu.memref_slice %arg10[%dma_start3A_62] : memref<1500160xf32, #tpu.memory_space<vmem_shared>> -> memref<1500160xf32, #tpu.memory_space<vmem_shared>>
          tpu.enqueue_indirect_dma source(%dma_start3A_58 : memref<128xf32, #tpu.memory_space<vmem>>) target(%dma_start3A_63 : memref<1500160xf32, #tpu.memory_space<vmem_shared>>) offsets(%dma_start3A_61 : memref<128xi32, #tpu.memory_space<vmem>>) semaphore(%arg15 : memref<!tpu.dma_semaphore, #tpu.memory_space<semaphore_mem>>) {add = true}
        }
        %scan3A_46 = arith.constant 24 : i32
        %scan3A_47 = arith.constant 0 : i32
        %scan3A_48 = arith.constant 24 : i32
        %scan3A_49 = arith.addi %scan3A_47, %scan3A_48 : i32
        %scan3A_50 = arith.constant 1 : i32
        scf.for %scan3A_52 = %scan3A_47 to %scan3A_49 step %scan3A_50  : i32 {
          %mul3A_53 = arith.constant 1 : i32
          %mul3A_54 = arith.muli %scan3A_52, %mul3A_53 : i32
          %add3A_55 = arith.constant 0 : i32
          %add3A_56 = arith.addi %add3A_55, %mul3A_54 : i32
          %dma_wait3A = arith.constant 0 : i32
          %dma_wait3A_57 = tpu.memref_slice %arg12[%add3A_56, %dma_wait3A] : memref<24x128xf32, #tpu.memory_space<vmem>> -> memref<1x128xf32, #tpu.memory_space<vmem>>
          %dma_wait3A_58 = tpu.memref_squeeze %dma_wait3A_57 : memref<1x128xf32, #tpu.memory_space<vmem>> -> memref<128xf32, #tpu.memory_space<vmem>>
          %dma_wait3A_59 = arith.constant 0 : i32
          %dma_wait3A_60 = tpu.memref_slice %arg13[%add3A_56, %dma_wait3A_59] : memref<24x128xi32, #tpu.memory_space<vmem>> -> memref<1x128xi32, #tpu.memory_space<vmem>>
          %dma_wait3A_61 = tpu.memref_squeeze %dma_wait3A_60 : memref<1x128xi32, #tpu.memory_space<vmem>> -> memref<128xi32, #tpu.memory_space<vmem>>
          %dma_wait3A_62 = arith.constant 0 : i32
          %dma_wait3A_63 = tpu.memref_slice %arg10[%dma_wait3A_62] : memref<1500160xf32, #tpu.memory_space<vmem_shared>> -> memref<1500160xf32, #tpu.memory_space<vmem_shared>>
          tpu.wait_indirect_dma semaphore(%arg15 : memref<!tpu.dma_semaphore, #tpu.memory_space<semaphore_mem>>) src(%dma_wait3A_58 : memref<128xf32, #tpu.memory_space<vmem>>) dst(%dma_wait3A_63 : memref<1500160xf32, #tpu.memory_space<vmem_shared>>)
        }
        %scan3A_51 = arith.constant 24 : i32
      }
      %scan3A_19 = arith.constant 62 : i32
      %barrier3A_20 = arith.constant 0 : index
      tpu.barrier barrier_id(%barrier3A_20)
      %scan3A_21 = arith.constant 0 : i32
      %scan3A_22 = arith.constant 11 : i32
      %scan3A_23 = arith.addi %scan3A_21, %scan3A_22 : i32
      %scan3A_24 = arith.constant 1 : i32
      scf.for %scan3A_35 = %scan3A_21 to %scan3A_23 step %scan3A_24  : i32 {
        %mul3A_36 = arith.constant 1 : i32
        %mul3A_37 = arith.muli %scan3A_35, %mul3A_36 : i32
        %add3A_38 = arith.constant 0 : i32
        %add3A_39 = arith.addi %add3A_38, %mul3A_37 : i32
        %mul3A_40 = arith.constant 8192 : i32
        %mul3A_41 = arith.muli %add3A_39, %mul3A_40 : i32
        %add3A_42 = arith.addi %mul3A_7, %mul3A_41 : i32
        "tpu.region"() ({
          %run_scoped3A = tpu.sem_alloc : memref<!tpu.dma_semaphore, #tpu.memory_space<semaphore_mem>>
          %dma_start3A = tpu.memref_slice %arg10[%add3A_42] : memref<1500160xf32, #tpu.memory_space<vmem_shared>> -> memref<8192xf32, #tpu.memory_space<vmem_shared>>
          %dma_start3A_46 = tpu.memref_slice %arg10[%add3A_42] : memref<1500160xf32, #tpu.memory_space<vmem_shared>> -> memref<8192xf32, #tpu.memory_space<vmem_shared>>
          tpu.enqueue_dma source(%dma_start3A_46 : memref<8192xf32, #tpu.memory_space<vmem_shared>>) target(%arg14 : memref<8192xf32, #tpu.memory_space<vmem>>) target_semaphore(%run_scoped3A : memref<!tpu.dma_semaphore, #tpu.memory_space<semaphore_mem>>)
          %dma_wait3A = tpu.memref_slice %arg10[%add3A_42] : memref<1500160xf32, #tpu.memory_space<vmem_shared>> -> memref<8192xf32, #tpu.memory_space<vmem_shared>>
          %dma_wait3A_47 = tpu.memref_slice %arg10[%add3A_42] : memref<1500160xf32, #tpu.memory_space<vmem_shared>> -> memref<8192xf32, #tpu.memory_space<vmem_shared>>
          tpu.wait_dma2 semaphore(%run_scoped3A : memref<!tpu.dma_semaphore, #tpu.memory_space<semaphore_mem>>) src(%dma_wait3A_47 : memref<8192xf32, #tpu.memory_space<vmem_shared>>) dst(%arg14 : memref<8192xf32, #tpu.memory_space<vmem>>)
          tpu.yield
        }) : () -> ()
        %mul3A_43 = arith.constant 8192 : i32
        %mul3A_44 = arith.muli %add3A_39, %mul3A_43 : i32
        %add3A_45 = arith.addi %mul3A_7, %mul3A_44 : i32
        "tpu.region"() ({
          %run_scoped3A = tpu.sem_alloc : memref<!tpu.dma_semaphore, #tpu.memory_space<semaphore_mem>>
          %dma_start3A = tpu.memref_slice %arg8[%add3A_45] : memref<1500000xf32, #tpu.memory_space<hbm>> -> memref<8192xf32, #tpu.memory_space<hbm>>
          %dma_start3A_46 = tpu.memref_slice %arg8[%add3A_45] : memref<1500000xf32, #tpu.memory_space<hbm>> -> memref<8192xf32, #tpu.memory_space<hbm>>
          tpu.enqueue_dma source(%arg14 : memref<8192xf32, #tpu.memory_space<vmem>>) target(%dma_start3A_46 : memref<8192xf32, #tpu.memory_space<hbm>>) target_semaphore(%run_scoped3A : memref<!tpu.dma_semaphore, #tpu.memory_space<semaphore_mem>>)
          %dma_wait3A = tpu.memref_slice %arg8[%add3A_45] : memref<1500000xf32, #tpu.memory_space<hbm>> -> memref<8192xf32, #tpu.memory_space<hbm>>
          %dma_wait3A_47 = tpu.memref_slice %arg8[%add3A_45] : memref<1500000xf32, #tpu.memory_space<hbm>> -> memref<8192xf32, #tpu.memory_space<hbm>>
          tpu.wait_dma2 semaphore(%run_scoped3A : memref<!tpu.dma_semaphore, #tpu.memory_space<semaphore_mem>>) src(%arg14 : memref<8192xf32, #tpu.memory_space<vmem>>) dst(%dma_wait3A_47 : memref<8192xf32, #tpu.memory_space<hbm>>)
          tpu.yield
        }) : () -> ()
      }
      %scan3A_25 = arith.constant 11 : i32
      %lt3A = arith.constant 15 : i32
      %lt3A_26 = arith.cmpi slt, %arg1, %lt3A : i32
      %convert_element_type3A_27 = arith.extui %lt3A_26 : i1 to i32
      %cond3A_28 = arith.constant 0 : i32
      %cond3A_29 = arith.cmpi ne, %convert_element_type3A_27, %cond3A_28 : i32
      scf.if %cond3A_29 {
        %add3A_35 = arith.constant 90112 : i32
        %add3A_36 = arith.addi %mul3A_7, %add3A_35 : i32
        "tpu.region"() ({
          %run_scoped3A = tpu.sem_alloc : memref<!tpu.dma_semaphore, #tpu.memory_space<semaphore_mem>>
          %dma_start3A = arith.constant 0 : i32
          %dma_start3A_39 = tpu.memref_slice %arg14[%dma_start3A] : memref<8192xf32, #tpu.memory_space<vmem>> -> memref<3648xf32, #tpu.memory_space<vmem>>
          %dma_start3A_40 = tpu.memref_slice %arg10[%add3A_36] : memref<1500160xf32, #tpu.memory_space<vmem_shared>> -> memref<3648xf32, #tpu.memory_space<vmem_shared>>
          %dma_start3A_41 = arith.constant 0 : i32
          %dma_start3A_42 = tpu.memref_slice %arg14[%dma_start3A_41] : memref<8192xf32, #tpu.memory_space<vmem>> -> memref<3648xf32, #tpu.memory_space<vmem>>
          %dma_start3A_43 = tpu.memref_slice %arg10[%add3A_36] : memref<1500160xf32, #tpu.memory_space<vmem_shared>> -> memref<3648xf32, #tpu.memory_space<vmem_shared>>
          tpu.enqueue_dma source(%dma_start3A_43 : memref<3648xf32, #tpu.memory_space<vmem_shared>>) target(%dma_start3A_42 : memref<3648xf32, #tpu.memory_space<vmem>>) target_semaphore(%run_scoped3A : memref<!tpu.dma_semaphore, #tpu.memory_space<semaphore_mem>>)
          %dma_wait3A = arith.constant 0 : i32
          %dma_wait3A_44 = tpu.memref_slice %arg14[%dma_wait3A] : memref<8192xf32, #tpu.memory_space<vmem>> -> memref<3648xf32, #tpu.memory_space<vmem>>
          %dma_wait3A_45 = tpu.memref_slice %arg10[%add3A_36] : memref<1500160xf32, #tpu.memory_space<vmem_shared>> -> memref<3648xf32, #tpu.memory_space<vmem_shared>>
          %dma_wait3A_46 = arith.constant 0 : i32
          %dma_wait3A_47 = tpu.memref_slice %arg14[%dma_wait3A_46] : memref<8192xf32, #tpu.memory_space<vmem>> -> memref<3648xf32, #tpu.memory_space<vmem>>
          %dma_wait3A_48 = tpu.memref_slice %arg10[%add3A_36] : memref<1500160xf32, #tpu.memory_space<vmem_shared>> -> memref<3648xf32, #tpu.memory_space<vmem_shared>>
          tpu.wait_dma2 semaphore(%run_scoped3A : memref<!tpu.dma_semaphore, #tpu.memory_space<semaphore_mem>>) src(%dma_wait3A_48 : memref<3648xf32, #tpu.memory_space<vmem_shared>>) dst(%dma_wait3A_47 : memref<3648xf32, #tpu.memory_space<vmem>>)
          tpu.yield
        }) : () -> ()
        %add3A_37 = arith.constant 90112 : i32
        %add3A_38 = arith.addi %mul3A_7, %add3A_37 : i32
        "tpu.region"() ({
          %run_scoped3A = tpu.sem_alloc : memref<!tpu.dma_semaphore, #tpu.memory_space<semaphore_mem>>
          %dma_start3A = arith.constant 0 : i32
          %dma_start3A_39 = tpu.memref_slice %arg14[%dma_start3A] : memref<8192xf32, #tpu.memory_space<vmem>> -> memref<3648xf32, #tpu.memory_space<vmem>>
          %dma_start3A_40 = tpu.memref_slice %arg8[%add3A_38] : memref<1500000xf32, #tpu.memory_space<hbm>> -> memref<3648xf32, #tpu.memory_space<hbm>>
          %dma_start3A_41 = tpu.memref_slice %arg8[%add3A_38] : memref<1500000xf32, #tpu.memory_space<hbm>> -> memref<3648xf32, #tpu.memory_space<hbm>>
          %dma_start3A_42 = arith.constant 0 : i32
          %dma_start3A_43 = tpu.memref_slice %arg14[%dma_start3A_42] : memref<8192xf32, #tpu.memory_space<vmem>> -> memref<3648xf32, #tpu.memory_space<vmem>>
          tpu.enqueue_dma source(%dma_start3A_43 : memref<3648xf32, #tpu.memory_space<vmem>>) target(%dma_start3A_41 : memref<3648xf32, #tpu.memory_space<hbm>>) target_semaphore(%run_scoped3A : memref<!tpu.dma_semaphore, #tpu.memory_space<semaphore_mem>>)
          %dma_wait3A = arith.constant 0 : i32
          %dma_wait3A_44 = tpu.memref_slice %arg14[%dma_wait3A] : memref<8192xf32, #tpu.memory_space<vmem>> -> memref<3648xf32, #tpu.memory_space<vmem>>
          %dma_wait3A_45 = tpu.memref_slice %arg8[%add3A_38] : memref<1500000xf32, #tpu.memory_space<hbm>> -> memref<3648xf32, #tpu.memory_space<hbm>>
          %dma_wait3A_46 = tpu.memref_slice %arg8[%add3A_38] : memref<1500000xf32, #tpu.memory_space<hbm>> -> memref<3648xf32, #tpu.memory_space<hbm>>
          %dma_wait3A_47 = arith.constant 0 : i32
          %dma_wait3A_48 = tpu.memref_slice %arg14[%dma_wait3A_47] : memref<8192xf32, #tpu.memory_space<vmem>> -> memref<3648xf32, #tpu.memory_space<vmem>>
          tpu.wait_dma2 semaphore(%run_scoped3A : memref<!tpu.dma_semaphore, #tpu.memory_space<semaphore_mem>>) src(%dma_wait3A_48 : memref<3648xf32, #tpu.memory_space<vmem>>) dst(%dma_wait3A_46 : memref<3648xf32, #tpu.memory_space<hbm>>)
          tpu.yield
        }) : () -> ()
      } else {
      }
      %eq3A_30 = arith.constant 15 : i32
      %eq3A_31 = arith.cmpi eq, %arg1, %eq3A_30 : i32
      %convert_element_type3A_32 = arith.extui %eq3A_31 : i1 to i32
      %cond3A_33 = arith.constant 0 : i32
      %cond3A_34 = arith.cmpi ne, %convert_element_type3A_32, %cond3A_33 : i32
      scf.if %cond3A_34 {
        %add3A_35 = arith.constant 90112 : i32
        %add3A_36 = arith.addi %mul3A_7, %add3A_35 : i32
        "tpu.region"() ({
          %run_scoped3A = tpu.sem_alloc : memref<!tpu.dma_semaphore, #tpu.memory_space<semaphore_mem>>
          %dma_start3A = arith.constant 0 : i32
          %dma_start3A_39 = tpu.memref_slice %arg14[%dma_start3A] : memref<8192xf32, #tpu.memory_space<vmem>> -> memref<3488xf32, #tpu.memory_space<vmem>>
          %dma_start3A_40 = tpu.memref_slice %arg10[%add3A_36] : memref<1500160xf32, #tpu.memory_space<vmem_shared>> -> memref<3488xf32, #tpu.memory_space<vmem_shared>>
          %dma_start3A_41 = arith.constant 0 : i32
          %dma_start3A_42 = tpu.memref_slice %arg14[%dma_start3A_41] : memref<8192xf32, #tpu.memory_space<vmem>> -> memref<3488xf32, #tpu.memory_space<vmem>>
          %dma_start3A_43 = tpu.memref_slice %arg10[%add3A_36] : memref<1500160xf32, #tpu.memory_space<vmem_shared>> -> memref<3488xf32, #tpu.memory_space<vmem_shared>>
          tpu.enqueue_dma source(%dma_start3A_43 : memref<3488xf32, #tpu.memory_space<vmem_shared>>) target(%dma_start3A_42 : memref<3488xf32, #tpu.memory_space<vmem>>) target_semaphore(%run_scoped3A : memref<!tpu.dma_semaphore, #tpu.memory_space<semaphore_mem>>)
          %dma_wait3A = arith.constant 0 : i32
          %dma_wait3A_44 = tpu.memref_slice %arg14[%dma_wait3A] : memref<8192xf32, #tpu.memory_space<vmem>> -> memref<3488xf32, #tpu.memory_space<vmem>>
          %dma_wait3A_45 = tpu.memref_slice %arg10[%add3A_36] : memref<1500160xf32, #tpu.memory_space<vmem_shared>> -> memref<3488xf32, #tpu.memory_space<vmem_shared>>
          %dma_wait3A_46 = arith.constant 0 : i32
          %dma_wait3A_47 = tpu.memref_slice %arg14[%dma_wait3A_46] : memref<8192xf32, #tpu.memory_space<vmem>> -> memref<3488xf32, #tpu.memory_space<vmem>>
          %dma_wait3A_48 = tpu.memref_slice %arg10[%add3A_36] : memref<1500160xf32, #tpu.memory_space<vmem_shared>> -> memref<3488xf32, #tpu.memory_space<vmem_shared>>
          tpu.wait_dma2 semaphore(%run_scoped3A : memref<!tpu.dma_semaphore, #tpu.memory_space<semaphore_mem>>) src(%dma_wait3A_48 : memref<3488xf32, #tpu.memory_space<vmem_shared>>) dst(%dma_wait3A_47 : memref<3488xf32, #tpu.memory_space<vmem>>)
          tpu.yield
        }) : () -> ()
        %add3A_37 = arith.constant 90112 : i32
        %add3A_38 = arith.addi %mul3A_7, %add3A_37 : i32
        "tpu.region"() ({
          %run_scoped3A = tpu.sem_alloc : memref<!tpu.dma_semaphore, #tpu.memory_space<semaphore_mem>>
          %dma_start3A = arith.constant 0 : i32
          %dma_start3A_39 = tpu.memref_slice %arg14[%dma_start3A] : memref<8192xf32, #tpu.memory_space<vmem>> -> memref<3488xf32, #tpu.memory_space<vmem>>
          %dma_start3A_40 = tpu.memref_slice %arg8[%add3A_38] : memref<1500000xf32, #tpu.memory_space<hbm>> -> memref<3488xf32, #tpu.memory_space<hbm>>
          %dma_start3A_41 = tpu.memref_slice %arg8[%add3A_38] : memref<1500000xf32, #tpu.memory_space<hbm>> -> memref<3488xf32, #tpu.memory_space<hbm>>
          %dma_start3A_42 = arith.constant 0 : i32
          %dma_start3A_43 = tpu.memref_slice %arg14[%dma_start3A_42] : memref<8192xf32, #tpu.memory_space<vmem>> -> memref<3488xf32, #tpu.memory_space<vmem>>
          tpu.enqueue_dma source(%dma_start3A_43 : memref<3488xf32, #tpu.memory_space<vmem>>) target(%dma_start3A_41 : memref<3488xf32, #tpu.memory_space<hbm>>) target_semaphore(%run_scoped3A : memref<!tpu.dma_semaphore, #tpu.memory_space<semaphore_mem>>)
          %dma_wait3A = arith.constant 0 : i32
          %dma_wait3A_44 = tpu.memref_slice %arg14[%dma_wait3A] : memref<8192xf32, #tpu.memory_space<vmem>> -> memref<3488xf32, #tpu.memory_space<vmem>>
          %dma_wait3A_45 = tpu.memref_slice %arg8[%add3A_38] : memref<1500000xf32, #tpu.memory_space<hbm>> -> memref<3488xf32, #tpu.memory_space<hbm>>
          %dma_wait3A_46 = tpu.memref_slice %arg8[%add3A_38] : memref<1500000xf32, #tpu.memory_space<hbm>> -> memref<3488xf32, #tpu.memory_space<hbm>>
          %dma_wait3A_47 = arith.constant 0 : i32
          %dma_wait3A_48 = tpu.memref_slice %arg14[%dma_wait3A_47] : memref<8192xf32, #tpu.memory_space<vmem>> -> memref<3488xf32, #tpu.memory_space<vmem>>
          tpu.wait_dma2 semaphore(%run_scoped3A : memref<!tpu.dma_semaphore, #tpu.memory_space<semaphore_mem>>) src(%dma_wait3A_48 : memref<3488xf32, #tpu.memory_space<vmem>>) dst(%dma_wait3A_46 : memref<3488xf32, #tpu.memory_space<hbm>>)
          tpu.yield
        }) : () -> ()
      } else {
      }
    } else {
    }
    return
  }
}

module attributes {stable_mosaic.version = 14 : i64} {
  func.func @_tc_body(%arg0: i32, %arg1: memref<8192x16xf32, #tpu.memory_space<vmem>>, %arg2: memref<10x16xf32, #tpu.memory_space<vmem>>, %arg3: memref<1x16xf32, #tpu.memory_space<vmem>>, %arg4: memref<1x8192xf32, #tpu.memory_space<vmem>>, %arg5: memref<3x8192xi32, #tpu.memory_space<vmem>>, %arg6: memref<3x8192xi32, #tpu.memory_space<vmem>>, %arg7: memref<3x8192xi32, #tpu.memory_space<vmem>>, %arg8: memref<3x8192xf32, #tpu.memory_space<vmem>>, %arg9: memref<6x8192xf32, #tpu.memory_space<vmem>>, %arg10: memref<6x8192xi32, #tpu.memory_space<vmem>>, %arg11: memref<3x8192xi32, #tpu.memory_space<vmem>>, %arg12: memref<1x8192xf32, #tpu.memory_space<vmem>>) attributes {dimension_semantics = [#tpu.dimension_semantics<arbitrary>], iteration_bounds = array<i64: 62>, scalar_prefetch = 0 : i64, scratch_operands = 0 : i64, tpu.core_type = #tpu.core_type<tc>, window_params = [{transform_indices = @transform_0, window_bounds = array<i64: 8192, 16>}, {pipeline_mode = #tpu.pipeline_mode<synchronous>, transform_indices = @transform_1, window_bounds = array<i64: 10, 16>}, {pipeline_mode = #tpu.pipeline_mode<synchronous>, transform_indices = @transform_2, window_bounds = array<i64: 1, 16>}, {transform_indices = @transform_3, window_bounds = array<i64: 1, 8192>}, {transform_indices = @transform_4, window_bounds = array<i64: 3, 8192>}, {transform_indices = @transform_5, window_bounds = array<i64: 3, 8192>}, {transform_indices = @transform_6, window_bounds = array<i64: 3, 8192>}, {transform_indices = @transform_7, window_bounds = array<i64: 3, 8192>}, {transform_indices = @transform_8, window_bounds = array<i64: 6, 8192>}, {transform_indices = @transform_9, window_bounds = array<i64: 6, 8192>}, {transform_indices = @transform_10, window_bounds = array<i64: 3, 8192>}, {transform_indices = @transform_11, window_bounds = array<i64: 1, 8192>}]} {
    %iota3A = tpu.iota {dimensions = array<i32: 1>} : vector<1x8192xi32>
    %mul3A = arith.constant 8192 : i32
    %mul3A_0 = arith.muli %arg0, %mul3A : i32
    %add3A = vector.broadcast %mul3A_0 : i32 to vector<1x8192xi32>
    %add3A_1 = arith.addi %iota3A, %add3A : vector<1x8192xi32>
    %lt3A = arith.constant 500000 : i32
    %lt3A_2 = vector.broadcast %lt3A : i32 to vector<1x8192xi32>
    %lt3A_3 = arith.cmpi slt, %add3A_1, %lt3A_2 : vector<1x8192xi32>
    %get3A = arith.constant 0 : index
    %get3A_4 = arith.constant 0 : index
    %get3A_5 = vector.load %arg2[%get3A, %get3A_4] : memref<10x16xf32, #tpu.memory_space<vmem>>, vector<10x16xf32>
    %get3A_6 = arith.constant 0 : index
    %get3A_7 = arith.constant 0 : index
    %get3A_8 = vector.load %arg3[%get3A_6, %get3A_7] : memref<1x16xf32, #tpu.memory_space<vmem>>, vector<1x16xf32>
    %mul3A_9 = vector.broadcast %get3A_8 : vector<1x16xf32> to vector<10x16xf32>
    %mul3A_10 = arith.mulf %get3A_5, %mul3A_9 : vector<10x16xf32>
    %get3A_11 = arith.constant 0 : index
    %get3A_12 = arith.constant 0 : index
    %get3A_13 = vector.load %arg1[%get3A_11, %get3A_12] : memref<8192x16xf32, #tpu.memory_space<vmem>>, vector<8192x16xf32>
    %dot_general3A = arith.constant dense<0.000000e+00> : vector<10x8192xf32>
    %dot_general3A_14 = tpu.matmul %mul3A_10, %get3A_13, %dot_general3A {dimension_numbers = #tpu.dot_dimension_numbers<[1], [1], [0], [0], [0, 0, 1, 0], [], []>, transpose_lhs_hint = false} : vector<10x16xf32>, vector<8192x16xf32>, vector<10x8192xf32> -> vector<10x8192xf32>
    %get3A_15 = arith.constant 0 : index
    %get3A_16 = arith.constant 0 : index
    %get3A_17 = vector.load %arg4[%get3A_15, %get3A_16] : memref<1x8192xf32, #tpu.memory_space<vmem>>, vector<1x8192xf32>
    %mul3A_18 = vector.broadcast %get3A_17 : vector<1x8192xf32> to vector<10x8192xf32>
    %mul3A_19 = arith.mulf %dot_general3A_14, %mul3A_18 : vector<10x8192xf32>
    %slice3A = vector.extract_strided_slice %mul3A_19 {offsets = [0, 0], sizes = [3, 8192], strides = [1, 1]} : vector<10x8192xf32> to vector<3x8192xf32>
    %jit3A = arith.constant 0.000000e+00 : f32
    %broadcast_in_dim3A = vector.shape_cast %lt3A_3 : vector<1x8192xi1> to vector<1x8192xi1>
    %broadcast_in_dim3A_20 = vector.broadcast %broadcast_in_dim3A : vector<1x8192xi1> to vector<3x8192xi1>
    %broadcast_in_dim3A_21 = vector.broadcast %jit3A : f32 to vector<3x8192xf32>
    %select_n3A = arith.select %broadcast_in_dim3A_20, %slice3A, %broadcast_in_dim3A_21 : vector<3x8192xi1>, vector<3x8192xf32>
    %swap3A = arith.constant 0 : index
    %swap3A_22 = arith.constant 0 : index
    %swap3A_23 = vector.load %arg8[%swap3A, %swap3A_22] : memref<3x8192xf32, #tpu.memory_space<vmem>>, vector<3x8192xf32>
    tpu.vector_store %arg8[%swap3A, %swap3A_22], %select_n3A {strides = array<i32>} : memref<3x8192xf32, #tpu.memory_space<vmem>>, vector<3x8192xf32>,
    %slice3A_24 = vector.extract_strided_slice %mul3A_19 {offsets = [3, 0], sizes = [6, 8192], strides = [1, 1]} : vector<10x8192xf32> to vector<6x8192xf32>
    %slice3A_25 = vector.extract_strided_slice %mul3A_19 {offsets = [4, 0], sizes = [1, 8192], strides = [1, 1]} : vector<10x8192xf32> to vector<1x8192xf32>
    %slice3A_26 = vector.extract_strided_slice %mul3A_19 {offsets = [3, 0], sizes = [1, 8192], strides = [1, 1]} : vector<10x8192xf32> to vector<1x8192xf32>
    %slice3A_27 = vector.extract_strided_slice %mul3A_19 {offsets = [6, 0], sizes = [1, 8192], strides = [1, 1]} : vector<10x8192xf32> to vector<1x8192xf32>
    %slice3A_28 = vector.extract_strided_slice %mul3A_19 {offsets = [5, 0], sizes = [1, 8192], strides = [1, 1]} : vector<10x8192xf32> to vector<1x8192xf32>
    %slice3A_29 = vector.extract_strided_slice %mul3A_19 {offsets = [8, 0], sizes = [1, 8192], strides = [1, 1]} : vector<10x8192xf32> to vector<1x8192xf32>
    %slice3A_30 = vector.extract_strided_slice %mul3A_19 {offsets = [7, 0], sizes = [1, 8192], strides = [1, 1]} : vector<10x8192xf32> to vector<1x8192xf32>
    %concatenate3A = tpu.concatenate %slice3A_25, %slice3A_26, %slice3A_27, %slice3A_28, %slice3A_29, %slice3A_30 in 0 : vector<1x8192xf32>, vector<1x8192xf32>, vector<1x8192xf32>, vector<1x8192xf32>, vector<1x8192xf32>, vector<1x8192xf32> -> vector<6x8192xf32>
    %get3A_31 = arith.constant 0 : index
    %get3A_32 = arith.constant 0 : index
    %get3A_33 = vector.load %arg5[%get3A_31, %get3A_32] : memref<3x8192xi32, #tpu.memory_space<vmem>>, vector<3x8192xi32>
    %slice3A_34 = vector.extract_strided_slice %get3A_33 {offsets = [0, 0], sizes = [1, 8192], strides = [1, 1]} : vector<3x8192xi32> to vector<1x8192xi32>
    %slice3A_35 = vector.extract_strided_slice %get3A_33 {offsets = [0, 0], sizes = [1, 8192], strides = [1, 1]} : vector<3x8192xi32> to vector<1x8192xi32>
    %slice3A_36 = vector.extract_strided_slice %get3A_33 {offsets = [1, 0], sizes = [1, 8192], strides = [1, 1]} : vector<3x8192xi32> to vector<1x8192xi32>
    %slice3A_37 = vector.extract_strided_slice %get3A_33 {offsets = [1, 0], sizes = [1, 8192], strides = [1, 1]} : vector<3x8192xi32> to vector<1x8192xi32>
    %slice3A_38 = vector.extract_strided_slice %get3A_33 {offsets = [2, 0], sizes = [1, 8192], strides = [1, 1]} : vector<3x8192xi32> to vector<1x8192xi32>
    %slice3A_39 = vector.extract_strided_slice %get3A_33 {offsets = [2, 0], sizes = [1, 8192], strides = [1, 1]} : vector<3x8192xi32> to vector<1x8192xi32>
    %concatenate3A_40 = tpu.concatenate %slice3A_34, %slice3A_35, %slice3A_36, %slice3A_37, %slice3A_38, %slice3A_39 in 0 : vector<1x8192xi32>, vector<1x8192xi32>, vector<1x8192xi32>, vector<1x8192xi32>, vector<1x8192xi32>, vector<1x8192xi32> -> vector<6x8192xi32>
    %eq3A = arith.constant 1 : i32
    %eq3A_41 = vector.broadcast %eq3A : i32 to vector<6x8192xi32>
    %eq3A_42 = arith.cmpi eq, %concatenate3A_40, %eq3A_41 : vector<6x8192xi32>
    %and3A = vector.broadcast %lt3A_3 : vector<1x8192xi1> to vector<6x8192xi1>
    %and3A_43 = arith.andi %and3A, %eq3A_42 : vector<6x8192xi1>
    %jit3A_44 = arith.constant 0.000000e+00 : f32
    %broadcast_in_dim3A_45 = vector.shape_cast %lt3A_3 : vector<1x8192xi1> to vector<1x8192xi1>
    %broadcast_in_dim3A_46 = vector.broadcast %broadcast_in_dim3A_45 : vector<1x8192xi1> to vector<6x8192xi1>
    %broadcast_in_dim3A_47 = vector.broadcast %jit3A_44 : f32 to vector<6x8192xf32>
    %select_n3A_48 = arith.select %broadcast_in_dim3A_46, %concatenate3A, %broadcast_in_dim3A_47 : vector<6x8192xi1>, vector<6x8192xf32>
    %select_n3A_49 = arith.select %and3A_43, %slice3A_24, %select_n3A_48 : vector<6x8192xi1>, vector<6x8192xf32>
    %swap3A_50 = arith.constant 0 : index
    %swap3A_51 = arith.constant 0 : index
    %swap3A_52 = vector.load %arg9[%swap3A_50, %swap3A_51] : memref<6x8192xf32, #tpu.memory_space<vmem>>, vector<6x8192xf32>
    tpu.vector_store %arg9[%swap3A_50, %swap3A_51], %select_n3A_49 {strides = array<i32>} : memref<6x8192xf32, #tpu.memory_space<vmem>>, vector<6x8192xf32>,
    %get3A_53 = arith.constant 0 : index
    %get3A_54 = arith.constant 0 : index
    %get3A_55 = vector.load %arg6[%get3A_53, %get3A_54] : memref<3x8192xi32, #tpu.memory_space<vmem>>, vector<3x8192xi32>
    %mul3A_56 = arith.constant 2 : i32
    %mul3A_57 = vector.broadcast %mul3A_56 : i32 to vector<3x8192xi32>
    %mul3A_58 = arith.muli %get3A_55, %mul3A_57 : vector<3x8192xi32>
    %slice3A_59 = vector.extract_strided_slice %mul3A_58 {offsets = [0, 0], sizes = [1, 8192], strides = [1, 1]} : vector<3x8192xi32> to vector<1x8192xi32>
    %slice3A_60 = vector.extract_strided_slice %mul3A_58 {offsets = [0, 0], sizes = [1, 8192], strides = [1, 1]} : vector<3x8192xi32> to vector<1x8192xi32>
    %add3A_61 = arith.constant 1 : i32
    %add3A_62 = vector.broadcast %add3A_61 : i32 to vector<1x8192xi32>
    %add3A_63 = arith.addi %slice3A_60, %add3A_62 : vector<1x8192xi32>
    %slice3A_64 = vector.extract_strided_slice %mul3A_58 {offsets = [1, 0], sizes = [1, 8192], strides = [1, 1]} : vector<3x8192xi32> to vector<1x8192xi32>
    %slice3A_65 = vector.extract_strided_slice %mul3A_58 {offsets = [1, 0], sizes = [1, 8192], strides = [1, 1]} : vector<3x8192xi32> to vector<1x8192xi32>
    %add3A_66 = arith.constant 1 : i32
    %add3A_67 = vector.broadcast %add3A_66 : i32 to vector<1x8192xi32>
    %add3A_68 = arith.addi %slice3A_65, %add3A_67 : vector<1x8192xi32>
    %slice3A_69 = vector.extract_strided_slice %mul3A_58 {offsets = [2, 0], sizes = [1, 8192], strides = [1, 1]} : vector<3x8192xi32> to vector<1x8192xi32>
    %slice3A_70 = vector.extract_strided_slice %mul3A_58 {offsets = [2, 0], sizes = [1, 8192], strides = [1, 1]} : vector<3x8192xi32> to vector<1x8192xi32>
    %add3A_71 = arith.constant 1 : i32
    %add3A_72 = vector.broadcast %add3A_71 : i32 to vector<1x8192xi32>
    %add3A_73 = arith.addi %slice3A_70, %add3A_72 : vector<1x8192xi32>
    %concatenate3A_74 = tpu.concatenate %slice3A_59, %add3A_63, %slice3A_64, %add3A_68, %slice3A_69, %add3A_73 in 0 : vector<1x8192xi32>, vector<1x8192xi32>, vector<1x8192xi32>, vector<1x8192xi32>, vector<1x8192xi32>, vector<1x8192xi32> -> vector<6x8192xi32>
    %jit3A_75 = arith.constant 0 : i32
    %broadcast_in_dim3A_76 = vector.shape_cast %lt3A_3 : vector<1x8192xi1> to vector<1x8192xi1>
    %broadcast_in_dim3A_77 = vector.broadcast %broadcast_in_dim3A_76 : vector<1x8192xi1> to vector<6x8192xi1>
    %broadcast_in_dim3A_78 = vector.broadcast %jit3A_75 : i32 to vector<6x8192xi32>
    %select_n3A_79 = arith.select %broadcast_in_dim3A_77, %concatenate3A_74, %broadcast_in_dim3A_78 : vector<6x8192xi1>, vector<6x8192xi32>
    %swap3A_80 = arith.constant 0 : index
    %swap3A_81 = arith.constant 0 : index
    %swap3A_82 = vector.load %arg10[%swap3A_80, %swap3A_81] : memref<6x8192xi32, #tpu.memory_space<vmem>>, vector<6x8192xi32>
    tpu.vector_store %arg10[%swap3A_80, %swap3A_81], %select_n3A_79 {strides = array<i32>} : memref<6x8192xi32, #tpu.memory_space<vmem>>, vector<6x8192xi32>,
    %get3A_83 = arith.constant 0 : index
    %get3A_84 = arith.constant 0 : index
    %get3A_85 = vector.load %arg7[%get3A_83, %get3A_84] : memref<3x8192xi32, #tpu.memory_space<vmem>>, vector<3x8192xi32>
    %jit3A_86 = arith.constant 0 : i32
    %broadcast_in_dim3A_87 = vector.shape_cast %lt3A_3 : vector<1x8192xi1> to vector<1x8192xi1>
    %broadcast_in_dim3A_88 = vector.broadcast %broadcast_in_dim3A_87 : vector<1x8192xi1> to vector<3x8192xi1>
    %broadcast_in_dim3A_89 = vector.broadcast %jit3A_86 : i32 to vector<3x8192xi32>
    %select_n3A_90 = arith.select %broadcast_in_dim3A_88, %get3A_85, %broadcast_in_dim3A_89 : vector<3x8192xi1>, vector<3x8192xi32>
    %swap3A_91 = arith.constant 0 : index
    %swap3A_92 = arith.constant 0 : index
    %swap3A_93 = vector.load %arg11[%swap3A_91, %swap3A_92] : memref<3x8192xi32, #tpu.memory_space<vmem>>, vector<3x8192xi32>
    tpu.vector_store %arg11[%swap3A_91, %swap3A_92], %select_n3A_90 {strides = array<i32>} : memref<3x8192xi32, #tpu.memory_space<vmem>>, vector<3x8192xi32>,
    %slice3A_94 = vector.extract_strided_slice %mul3A_19 {offsets = [9, 0], sizes = [1, 8192], strides = [1, 1]} : vector<10x8192xf32> to vector<1x8192xf32>
    %swap3A_95 = arith.constant 0 : index
    %swap3A_96 = arith.constant 0 : index
    %swap3A_97 = vector.load %arg12[%swap3A_95, %swap3A_96] : memref<1x8192xf32, #tpu.memory_space<vmem>>, vector<1x8192xf32>
    tpu.vector_store %arg12[%swap3A_95, %swap3A_96], %slice3A_94 {strides = array<i32>} : memref<1x8192xf32, #tpu.memory_space<vmem>>, vector<1x8192xf32>,
    return
  }
  func.func @transform_0(%arg0: i32) -> (i32, i32) {
    %c0_i32 = arith.constant 0 : i32
    %c0_i32_0 = arith.constant 0 : i32
    return %arg0, %c0_i32 : i32, i32
  }
  func.func @transform_1(%arg0: i32) -> (i32, i32) {
    %c0_i32 = arith.constant 0 : i32
    %c0_i32_0 = arith.constant 0 : i32
    %c0_i32_1 = arith.constant 0 : i32
    return %c0_i32, %c0_i32_0 : i32, i32
  }
  func.func @transform_2(%arg0: i32) -> (i32, i32) {
    %c0_i32 = arith.constant 0 : i32
    %c0_i32_0 = arith.constant 0 : i32
    %c0_i32_1 = arith.constant 0 : i32
    return %c0_i32, %c0_i32_0 : i32, i32
  }
  func.func @transform_3(%arg0: i32) -> (i32, i32) {
    %c0_i32 = arith.constant 0 : i32
    %c0_i32_0 = arith.constant 0 : i32
    return %c0_i32, %arg0 : i32, i32
  }
  func.func @transform_4(%arg0: i32) -> (i32, i32) {
    %c0_i32 = arith.constant 0 : i32
    %c0_i32_0 = arith.constant 0 : i32
    return %c0_i32, %arg0 : i32, i32
  }
  func.func @transform_5(%arg0: i32) -> (i32, i32) {
    %c0_i32 = arith.constant 0 : i32
    %c0_i32_0 = arith.constant 0 : i32
    return %c0_i32, %arg0 : i32, i32
  }
  func.func @transform_6(%arg0: i32) -> (i32, i32) {
    %c0_i32 = arith.constant 0 : i32
    %c0_i32_0 = arith.constant 0 : i32
    return %c0_i32, %arg0 : i32, i32
  }
  func.func @transform_7(%arg0: i32) -> (i32, i32) {
    %c0_i32 = arith.constant 0 : i32
    %c0_i32_0 = arith.constant 0 : i32
    return %c0_i32, %arg0 : i32, i32
  }
  func.func @transform_8(%arg0: i32) -> (i32, i32) {
    %c0_i32 = arith.constant 0 : i32
    %c0_i32_0 = arith.constant 0 : i32
    return %c0_i32, %arg0 : i32, i32
  }
  func.func @transform_9(%arg0: i32) -> (i32, i32) {
    %c0_i32 = arith.constant 0 : i32
    %c0_i32_0 = arith.constant 0 : i32
    return %c0_i32, %arg0 : i32, i32
  }
  func.func @transform_10(%arg0: i32) -> (i32, i32) {
    %c0_i32 = arith.constant 0 : i32
    %c0_i32_0 = arith.constant 0 : i32
    return %c0_i32, %arg0 : i32, i32
  }
  func.func @transform_11(%arg0: i32) -> (i32, i32) {
    %c0_i32 = arith.constant 0 : i32
    %c0_i32_0 = arith.constant 0 : i32
    return %c0_i32, %arg0 : i32, i32
  }
}

</mosaic_0001>

<sc_bundles>
// kernel: kernel.4.cloned.1.call-start
scs
__scs_entry_jumppad:
0x0: {  	(pc) =	sbr.rel $0x88, $3  }
0x1: {  	(tag) =	ssettag $0x0;
	lr =	simm.s32 $0x1  }
0x2: {  	[smem:$0x3F9A] =	sst lr;
	_ =	strace $0xD0000000  }
0x3: {  	_ = 	snop  }
0x4: {  	_ = 	snop  }
0x5: {  	_ = 	snop  }
0x6: {  	_ = 	snop  }
0x7: {  	_ = 	snop  }
__scs_overlays_trampoline_lowered:
0x8: {  	[smem:$0x3FA9] =	sst s0  }
0x9: {  	[smem:$0x3FAA] =	sst s1  }
0xa: {  	[smem:$0x3FAB] =	sst s2  }
0xb: {  	[smem:$0x3FAC] =	sst s3  }
0xc: {  	[smem:$0x3FAD] =	sst s4  }
0xd: {  	[smem:$0x3FAE] =	sst s5  }
0xe: {  	[smem:$0x3FAF] =	sst s6  }
0xf: {  	[smem:$0x3FB0] =	sst s7  }
0x10: {  	[smem:$0x3FB1] =	sst s8  }
0x11: {  	[smem:$0x3FB2] =	sst s9;
	s0 =	simm.s32 @!p0 $0x0  }
0x12: {  	s1 =	sld [smem:$0x3F98];
	s0 =	simm.s32 @p0 $0x1  }
0x13: {  	[smem:$0x3FB3] =	sst s0;
	s0 =	simm.s32 @!p1 $0x0  }
0x14: {  	s2 =	sld [smem:$0x3F97];
	s0 =	simm.s32 @p1 $0x1  }
0x15: {  	[smem:$0x3FB4] =	sst s0;
	s0 =	simm.s32 @!p2 $0x0  }
0x16: {  	s3 =	sld [smem:$0x3FDB];
	s0 =	simm.s32 @p2 $0x1  }
0x17: {  	s4 =	simm.s32 $0x1BF5;
	[smem:$0x3FB6] =	sst s0  }
0x18: {  	s0 =	sld [smem:$0x3F99];
	_ =	swait.ge [sflag:s4], $0x0  }
0x19: {  	s7 =	sld [smem:$0x3F9A]  }
0x1a: {  	s8 =	sadd.s32 $0xFFFFE003, lr  }
0x1b: {  	s9 =	sadd.s32 $0xFFFFFEF7, lr;
	s5 =	simm.s32 $0xFFFFFFFF;
	p2 =	slt.u32 s8, $0xFFFFF086  }
0x1c: {  	p1 =	slt.u32 s9, $0xF7A;
	s5 =	simm.s32 @!p2 $0x0  }
0x1d: {  	s5 =	simm.s32 @p1 $0x1;
	p0 =	seq.s32 s7, s2  }
0x1e: {  	s7 =	smul.u32 @!p0 $0xF7A, s2;
	p2 =	seq.s32 @!p0 s5, $0x0  }
0x1f: {  	s9 =	smul.u32 $0xF7A, s1;
	s8 =	simm.s32 @!p0 $0x1BF5;
	p2 =	por !p2, p0  }
0x20: {  	[sflag:s8] =	ssyncset.s32 @!p0 $0xFFFFF086;
	s6 =	sadd.s32 @!p0 s3, s7;
	s7 =	simm.s32 @!p0 $0x108  }
0x21: {  	s3 =	sadd.s32 s3, s9;
	s6 =	sadd.s32 @!p0 $0x88, s6;
	s7 =	simm.s32 @p2 $0x1082  }
0x22: {  	[simem:s7], [sflag:s8] =	dma.local @!p0 [hbm:s6], $0xF7A  }
0x23: {  	s9 =	sor.u32 $0xD0000000, s2;
	s6 =	simm.s32 $0x108;
	_ =	swait.ge @!p0 [sflag:s8], $0x0  }
0x24: {  	s3 =	sadd.s32 $0x88, s3;
	s6 =	simm.s32 @!p1 $0x1082;
	[sflag:s4] =	ssyncset.s32 $0xFFFFF086  }
0x25: {  	[simem:s6], [sflag:s4] =	dma.local [hbm:s3], $0xF7A  }
0x26: {  	[smem:$0x3F9A] =	sst s1;
	(tag) =	ssettag s2;
	_ =	strace s9  }
0x27: {  	s1 =	sld [smem:$0x3FAA]  }
0x28: {  	s2 =	sld [smem:$0x3FAB]  }
0x29: {  	s4 =	sld [smem:$0x3FAD]  }
0x2a: {  	p0 =	seq.s32 s5, $0x0;
	s5 =	sld [smem:$0x3FAE]  }
0x2b: {  	s6 =	sld [smem:$0x3FAF]  }
0x2c: {  	s7 =	sld [smem:$0x3FB0]  }
0x2d: {  	s3 =	simm.s32 $0x108;
	s8 =	sld [smem:$0x3FB1]  }
0x2e: {  	s3 =	simm.s32 @!p0 $0x1082;
	s9 =	sld [smem:$0x3FB2]  }
0x2f: {  	lr =	sadd.s32 s0, s3;
	s0 =	sld [smem:$0x3FA9]  }
0x30: {  	s3 =	sld [smem:$0x3FAC]  }
0x31: {  	[smem:$0x3FB5] =	sst s10  }
0x32: {  	s10 =	sld [smem:$0x3FB3];
	_ =	sdelay $0x3  }
0x33: {  	p0 =	seq.s32 s10, $0x1;
	s10 =	sld [smem:$0x3FB5];
	_ =	sdelay $0x3  }
0x34: {  	[smem:$0x3FB5] =	sst s10  }
0x35: {  	s10 =	sld [smem:$0x3FB4];
	_ =	sdelay $0x3  }
0x36: {  	p1 =	seq.s32 s10, $0x1;
	s10 =	sld [smem:$0x3FB5];
	_ =	sdelay $0x3  }
0x37: {  	[smem:$0x3FB5] =	sst s10  }
0x38: {  	s10 =	sld [smem:$0x3FB6]  }
0x39: {  	_ = 	snop;
	(pc) =	sbr.ind lr, $3  }
0x3a: {  	_ = 	snop  }
0x3b: {  	_ = 	snop  }
0x3c: {  	p2 =	seq.s32 s10, $0x1;
	s10 =	sld [smem:$0x3FB5]  }
0x3d: {  	_ =	shalt  }
0x3e: {  	_ =	shalt  }
0x3f: {  	_ =	shalt  }
0x40: {  	_ =	shalt  }
0x41: {  	_ =	shalt  }
0x42: {  	_ =	shalt  }
0x43: {  	_ =	shalt  }
0x44: {  	_ =	shalt  }
0x45: {  	_ =	shalt  }
0x46: {  	_ =	shalt  }
0x47: {  	_ =	shalt  }
0x48: {  	_ =	shalt  }
0x49: {  	_ =	shalt  }
0x4a: {  	_ =	shalt  }
0x4b: {  	_ =	shalt  }
0x4c: {  	_ =	shalt  }
0x4d: {  	_ =	shalt  }
0x4e: {  	_ =	shalt  }
0x4f: {  	_ =	shalt  }
0x50: {  	_ =	shalt  }
0x51: {  	_ =	shalt  }
0x52: {  	_ =	shalt  }
0x53: {  	_ =	shalt  }
0x54: {  	_ =	shalt  }
0x55: {  	_ =	shalt  }
0x56: {  	_ =	shalt  }
0x57: {  	_ =	shalt  }
0x58: {  	_ =	shalt  }
0x59: {  	_ =	shalt  }
0x5a: {  	_ =	shalt  }
0x5b: {  	_ =	shalt  }
0x5c: {  	_ =	shalt  }
0x5d: {  	_ =	shalt  }
0x5e: {  	_ =	shalt  }
0x5f: {  	_ =	shalt  }
0x60: {  	_ =	shalt  }
0x61: {  	_ =	shalt  }
0x62: {  	_ =	shalt  }
0x63: {  	_ =	shalt  }
0x64: {  	_ =	shalt  }
0x65: {  	_ =	shalt  }
0x66: {  	_ =	shalt  }
0x67: {  	_ =	shalt  }
0x68: {  	_ =	shalt  }
0x69: {  	_ =	shalt  }
0x6a: {  	_ =	shalt  }
0x6b: {  	_ =	shalt  }
0x6c: {  	_ =	shalt  }
0x6d: {  	_ =	shalt  }
0x6e: {  	_ =	shalt  }
0x6f: {  	_ =	shalt  }
0x70: {  	_ =	shalt  }
0x71: {  	_ =	shalt  }
0x72: {  	_ =	shalt  }
0x73: {  	_ =	shalt  }
0x74: {  	_ =	shalt  }
0x75: {  	_ =	shalt  }
0x76: {  	_ =	shalt  }
0x77: {  	_ =	shalt  }
0x78: {  	_ =	shalt  }
0x79: {  	_ =	shalt  }
0x7a: {  	_ =	shalt  }
0x7b: {  	_ =	shalt  }
0x7c: {  	_ =	shalt  }
0x7d: {  	_ =	shalt  }
0x7e: {  	_ =	shalt  }
0x7f: {  	_ =	shalt  }
0x80: {  	_ =	shalt  }
0x81: {  	_ =	shalt  }
0x82: {  	_ =	shalt  }
0x83: {  	_ =	shalt  }
0x84: {  	_ =	shalt  }
0x85: {  	_ =	shalt  }
0x86: {  	_ =	shalt  }
0x87: {  	_ =	shalt  }
.Lfunc_end0:
.L_simem_size_0:
called_computation_lowered:
.L_overlay_start_0:
0x88: {  	s2 =	sld [smem:$0x3FD9]  }
0x89: {  	s3 =	sld [smem:$0x3FFE];
	_ =	sdelay $0x1  }
0x8a: {  	s1 =	srdreg.scid  }
0x8b: {  	s0 =	sand.u32 $0x1, s1  }
0x8c: {  	s14 =	sshll.u32 s0, $0xA;
	s2 =	sadd.s32 s3, s2  }
0x8d: {  	s2 =	sadd.s32 s2, s14  }
0x8e: {  	[smem:$0x3FC1] =	sst s2  }
0x8f: {  	_ = 	snop  }
0x90: {  	s2 =	sld [smem:$0x3FD0];
	_ =	sdelay $0x2  }
0x91: {  	s15 =	simm.s32 $0xA;
	s4 =	simm.s32 $0x10  }
0x92: {  	[smem:s4], [sflag:s15] =	dma.local [hbm:s2], $0x1  }
0x93: {  	_ =	swait.eq [sflag:s15], $0x1  }
0x94: {  	[sflag:s15] =	ssyncset.done $0x0  }
0x95: {  	s16 =	sld [smem:$0x10];
	[sflag:s15] =	ssyncadd.s32 $0xFFFFFFFF  }
0x96: {  	s17 =	sld [smem:$0x11];
	(tm) =	ssettm $0x1  }
0x97: {  	s18 =	sld [smem:$0x3FFB];
	_ =	sdelay $0x3  }
0x98: {  	_ =	strace s18  }
0x99: {  	s4 =	sld [smem:$0x3FFC];
	_ =	sdelay $0x3  }
0x9a: {  	_ =	strace s4  }
0x9b: {  	s4 =	sld [smem:$0x3FFD];
	_ =	sdelay $0x3  }
0x9c: {  	_ =	strace s4  }
0x9d: {  	_ =	strace $0x8FFFFFFF  }
0x9e: {  	s19 =	sld [smem:$0x3FDB];
	_ =	sdelay $0x1  }
0x9f: {  	s5 =	simm.s32 $_scs_section_size  }
0xa0: {  	s6 =	simm.s32 $_size__tile_overlayer_lowered;
	s7 =	simm.s32 $_tile_overlayer_lowered  }
0xa1: {  	s22 =	simm.s32 $0x1BFF;
	s21 =	sshll.u32 s7, $0x1;
	s4 =	sadd.s32 s5, s19  }
0xa2: {  	s8 =	simm.s32 $0x0;
	s20 =	sshll.u32 s6, $0x1;
	s6 =	sadd.s32 s21, s4  }
0xa3: {  	[timem:s8], [sflag:s22] =	dma.local [hbm:s6], s20  }
0xa4: {  	_ =	swait.ge [sflag:s22], s20  }
0xa5: {  	s5 =	ssub.s32 $0x0, s20;
	[sflag:s22] =	ssyncset.done $0x0  }
0xa6: {  	[sflag:s22] =	ssyncadd.s32 s5;
	_ =	sdelay $0x1  }
0xa7: {  	s23 =	simm.s32 $0x1B8B  }
0xa8: {  	_ =	swait.ge [sflag:s23], $0x1  }
0xa9: {  	[sflag:s23] =	ssyncset.done $0x0  }
0xaa: {  	s25 =	simm.s32 $0x1B8E;
	s24 =	sld [smem:$0x3FFE];
	[sflag:s23] =	ssyncadd.s32 $0xFFFFFFFF  }
0xab: {  	s26 =	simm.s32 $execute0_lowered;
	[smem:$0x3FD2] =	sst s25  }
0xac: {  	s6 =	sshll.u32 s26, $0x1;
	_ =	strace $0x80000046;
	[dreg:$0x1] =	wrdreg $0xFFFFFFFF  }
0xad: {  	s28 =	simm.s32 $_size_execute0_lowered;
	s4 =	sadd.s32 s4, s6;
	[dreg:$0x0] =	wrdreg $0x0  }
0xae: {  	s6 =	sshll.u32 s28, $0x1;
	[dreg:$0x2] =	wrdreg s4  }
0xaf: {  	[dreg:$0x3] =	wrdreg s6  }
0xb0: {  	[dreg:$0x4] =	wrdreg $0xC0  }
0xb1: {  	_ =	task [dreg:s8], $0x5FFFF  }
0xb2: {  	[dreg:$0x1] =	wrdreg $0xFFFFFFFF  }
0xb3: {  	[dreg:$0x0] =	wrdreg $0x60  }
0xb4: {  	[dreg:$0x2] =	wrdreg s24  }
0xb5: {  	[dreg:$0x3] =	wrdreg s16  }
0xb6: {  	[dreg:$0x4] =	wrdreg s17  }
0xb7: {  	[dreg:$0x5] =	wrdreg $0x0  }
0xb8: {  	[dreg:$0x6] =	wrdreg $0x3D100  }
0xb9: {  	[dreg:$0x7] =	wrdreg $0x9  }
0xba: {  	_ =	task.clear_ibuf [dreg:s8], $0x8FFFF;
	_ =	strace $0x90000046  }
0xbb: {  	s29 =	simm.s32 $0x9;
	_ =	strace $0x80000048  }
0xbc: {  	_ =	swait.ge [sflag:s29], $0x1  }
0xbd: {  	[sflag:s29] =	ssyncadd.s32 $0xFFFFFFFF  }
0xbe: {  	_ =	strace $0x90000048  }
0xbf: {  	_ =	sfence  }
0xc0: {  	s30 =	sld [smem:$0x0];
	_ =	sdelay $0x2  }
0xc1: {  	s31 =	sshll.u32 s1, $0xD;
	s1 =	sshrl.u32 s1, $0x2  }
0xc2: {  	s3 =	sand.u32 $0x4000, s31;
	s1 =	sadd.s32 s1, s30  }
0xc3: {  	s0 =	sor.u32 s3, s0;
	s1 =	sshll.u32 s1, $0x11  }
0xc4: {  	s0 =	sor.u32 s1, s0  }
0xc5: {  	s0 =	sadd.s32 $0x8F2B, s0  }
0xc6: {  	[sflag:s0] =	ssyncadd.remote.s32 $0x1  }
0xc7: {  	_ =	sfence.sel $0xFFFF  }
0xc8: {  	[dreg:$0x0] =	wrdreg $0xFFFFFFFF;
	(pc) =	sbr.abs _section_cstart, $3  }
0xc9: {  	[dreg:$0x1] =	wrdreg $0xFFFFFFFF  }
0xca: {  	_ =	task.clear_ibuf [dreg:s8], $0x2FFFF;
	_ =	strace $0x9FFFFFFF  }
0xcb: {  	(tm) =	ssettm $0x7FFFFFFF  }
tec
execute0_lowered:
.L_overlay_start_1:
0x0: {  	(tag) =	ssettag $0x1  }
0x1: {  	s0 =	rddreg [dreg:$0x0]  }
0x2: {  	s2 =	rddreg [dreg:$0x1]  }
0x3: {  	s5 =	rddreg [dreg:$0x2]  }
0x4: {  	s1 =	rddreg [dreg:$0x3]  }
0x5: {  	s3 =	rddreg [dreg:$0x4];
	s11 =	stileid.u32  }
0x6: {  	s4 =	simm.s32 $0x0;
	s7 =	srdreg.scid;
	s6 =	smul.u32 $0x2E80, s11  }
0x7: {  	[smem:$0x7FF] =	sst s4;
	s8 =	smul.u32 $0x5D00, s11  }
0x8: {  	s7 =	sand.u32 $0x1, s7;
	s10 =	smul.u32 $0x3D10, s11;
	s26 =	sadd.s32 $0x3B3F0, s1  }
0x9: {  	s14 =	sadd.s32 $0x2DAB8, s5;
	_ =	strace $0x80000047;
	[dreg:$0x10] =	wrdreg s26  }
0xa: {  	s9 =	ssub.s32 $0x2, s7;
	p0 =	seq.s32 s7, $0x1;
	[dreg:$0x15] =	wrdreg s14  }
0xb: {  	s6 =	sadd.s32 s6, s0;
	s8 =	sadd.s32 s8, s0;
	s0 =	sadd.s32 $0x11A000, s0  }
0xc: {  	s20 =	sshrl.u32 s9, $0x1;
	s12 =	sadd.s32 s10, s1;
	[dreg:$0xa] =	wrdreg s0  }
0xd: {  	s21 =	sshrl.u32 s10, $0x3;
	s13 =	sadd.s32 $0x3000, s12;
	[dreg:$0xb] =	wrdreg s12  }
0xe: {  	s22 =	sadd.s32 $0x2000, s10;
	s7 =	sadd.s32 s2, s21;
	[dreg:$0xc] =	wrdreg s13  }
0xf: {  	s0 =	ssub.s32 s9, s20;
	s9 =	sadd.s32 s22, s1;
	[dreg:$0xd] =	wrdreg s7  }
0x10: {  	s15 =	sadd.s32 $0x1000, s12;
	[dreg:$0xe] =	wrdreg s9  }
0x11: {  	s16 =	sadd.s32 $0x2000, s12;
	[dreg:$0x17] =	wrdreg s15  }
0x12: {  	s18 =	sadd.s32 $0x3000, s6;
	[dreg:$0x18] =	wrdreg s16  }
0x13: {  	s20 =	sadd.s32 $0x31800, s6;
	[dreg:$0x6] =	wrdreg s18  }
0x14: {  	s24 =	sshrl.u32 s22, $0x3;
	s21 =	sadd.s32 $0x60000, s8;
	[dreg:$0x7] =	wrdreg s20  }
0x15: {  	s23 =	smul.u32 $0x16E40, s11;
	s7 =	sadd.s32 s2, s24;
	[dreg:$0x8] =	wrdreg s21  }
0x16: {  	s2 =	sadd.s32 $0x767E, s2;
	[dreg:$0xf] =	wrdreg s7  }
0x17: {  	s25 =	sadd.s32 $0x16000, s23;
	s0 =	smax.u32 s0, $0x1;
	[dreg:$0x11] =	wrdreg s2  }
0x18: {  	s9 =	sadd.s32 s23, s3;
	s23 =	sadd.s32 $0xBD000, s8;
	[dreg:$0x16] =	wrdreg s0  }
0x19: {  	[dreg:$0x9] =	wrdreg s23  }
0x1a: {  	s13 =	sshrl.u32 s25, $0x3;
	s7 =	sadd.s32 s25, s3;
	[dreg:$0x12] =	wrdreg s9  }
0x1b: {  	s2 =	sadd.s32 s5, s13;
	[dreg:$0x13] =	wrdreg s7  }
0x1c: {  	s17 =	sadd.s32 $0x1000, s9;
	[dreg:$0x14] =	wrdreg s2  }
0x1d: {  	s19 =	sadd.s32 $0x2000, s9;
	[dreg:$0x19] =	wrdreg s17  }
0x1e: {  	s25 =	sadd.s32 $0x3000, s9;
	[dreg:$0x1a] =	wrdreg s19  }
0x1f: {  	p1 =	seq.s32 s11, $0xF;
	s8 =	sadd.s32 $0x4000, s9;
	[dreg:$0x1b] =	wrdreg s25  }
0x20: {  	s22 =	smul.u32 $0x5B900, s11;
	s10 =	sadd.s32 $0x5000, s9;
	[dreg:$0x1d] =	wrdreg s8  }
0x21: {  	s24 =	smul.u32 $0x2DC8, s11;
	s11 =	sadd.s32 $0x6000, s9;
	[dreg:$0x1f] =	wrdreg s10  }
0x22: {  	s12 =	sadd.s32 $0x7000, s9;
	[smem:$0x7EE] =	sst s11  }
0x23: {  	s29 =	simm.s32 $0x1AB50;
	s13 =	sadd.s32 $0x8000, s9;
	[smem:$0x7EF] =	sst s12  }
0x24: {  	s31 =	simm.s32 $0x1C750;
	s14 =	sadd.s32 $0x9000, s9;
	[smem:$0x7F0] =	sst s13  }
0x25: {  	s30 =	simm.s32 $0x1C7D0;
	s15 =	sadd.s32 $0xA000, s9;
	[smem:$0x7F1] =	sst s14  }
0x26: {  	s28 =	simm.s32 $0x0;
	s16 =	sadd.s32 $0xB000, s9;
	[smem:$0x7F2] =	sst s15  }
0x27: {  	s6 =	simm.s32 $0x1CBD0;
	s18 =	sadd.s32 $0xD000, s9;
	[smem:$0x7F3] =	sst s16  }
0x28: {  	s26 =	sshrl.u32 s22, $0x2;
	s20 =	sadd.s32 $0xF000, s9;
	[smem:$0x7F5] =	sst s18  }
0x29: {  	s21 =	sadd.s32 $0x10000, s9;
	s22 =	sadd.s32 $0x11000, s9;
	[smem:$0x7F7] =	sst s20  }
0x2a: {  	s23 =	sadd.s32 $0x12000, s9;
	s7 =	sadd.s32 s24, s5;
	[smem:$0x7F8] =	sst s21  }
0x2b: {  	s0 =	sadd.s32 s26, s3;
	s17 =	sadd.s32 $0xC000, s9;
	[smem:$0x7F9] =	sst s22  }
0x2c: {  	s19 =	sadd.s32 $0xE000, s9;
	[smem:$0x7FA] =	sst s23;
	s24 =	sadd.s32 $0x13000, s9  }
0x2d: {  	s25 =	sadd.s32 $0x14000, s9;
	s26 =	sadd.s32 $0x15000, s9;
	s21 =	simm.s32 $0x2  }
0x2e: {  	s2 =	simm.s32 $0x1C850;
	s8 =	simm.s32 $0x1C8D0;
	s9 =	simm.s32 $0x1BCD0  }
0x2f: {  	s10 =	simm.s32 $0x1C950;
	s11 =	simm.s32 $0x1BD50;
	[dreg:$0x1c] =	wrdreg s7  }
0x30: {  	s12 =	simm.s32 $0x1C9D0;
	s15 =	simm.s32 $0x1BDD0;
	[dreg:$0x1e] =	wrdreg s0  }
0x31: {  	s16 =	simm.s32 $0x1CA50;
	s18 =	simm.s32 $0x1BE50;
	[smem:$0x7F4] =	sst s17  }
0x32: {  	s5 =	simm.s32 $0x1BED0;
	s13 =	simm.s32 $0x1BFD0;
	[smem:$0x7F6] =	sst s19  }
.Ltmp0:
0x33: {  	s14 =	simm.s32 $0x1CC50;
	[smem:$0x7FB] =	sst s24;
	(pc) =	sbr.rel .LBB2_1-.Ltmp0, $4  }
0x34: {  	s23 =	simm.s32 $0x1C050;
	s22 =	simm.s32 $0x1CCD0;
	[smem:$0x7FC] =	sst s25  }
0x35: {  	s20 =	simm.s32 $0x1;
	[smem:$0x7FD] =	sst s26;
	s24 =	simm.s32 $0x1BB50  }
0x36: {  	s26 =	simm.s32 $0x80;
	s0 =	simm.s32 $0x1BBD0;
	s7 =	simm.s32 $0x1BC50  }
0x37: {  	s19 =	simm.s32 $0x1CAD0;
	s17 =	simm.s32 $0x1CB50;
	s25 =	simm.s32 $0x1BF50  }
.LBB2_9:
0x38: {  	[sflag:s21] =	ssyncadd.s32 $0xFFFFE000  }
0x39: {  	s0 =	simm.s32 @p1 $0x1D350;
	s31 =	rddreg [dreg:$0x13];
	s29 =	simm.s32 @p1 $0x2  }
0x3a: {  	[tilespmem:s0], [sflag:$0x2] =	stream.linear.gather @p1 [spmem:s31], $0xDA0, $0x38;
	[tilespmem:$0x1F350] =	vst v63  }
0x3b: {  	_ =	swait.ge @p1 [sflag:s29], $0xDA0  }
0x3c: {  	[sflag:s29] =	ssyncset.done @p1 $0x0  }
0x3d: {  	s30 =	simm.s32 @p1 $0x0;
	s28 =	rddreg [dreg:$0x15];
	[sflag:s29] =	ssyncadd.s32 @p1 $0xFFFFF260  }
0x3e: {  	[hbm4b:s28+s30] =	stream.linear.scatter @p1 [tilespmem:s0], [sflag:$0x2], $0xDA0, $0x38;
	[tilespmem:$0x1F350] =	vst v63  }
0x3f: {  	_ =	swait.ge @p1 [sflag:s29], $0xDA0  }
0x40: {  	[sflag:s29] =	ssyncset.done @p1 $0x0  }
0x41: {  	s28 =	simm.s32 @!p1 $0x1D350;
	[sflag:s29] =	ssyncadd.s32 @p1 $0xFFFFF260;
	s29 =	simm.s32 @!p1 $0x2  }
0x42: {  	[tilespmem:s28], [sflag:$0x2] =	stream.linear.gather @!p1 [spmem:s31], $0xE40, $0x38;
	[tilespmem:$0x1F350] =	vst v63  }
0x43: {  	_ =	swait.ge @!p1 [sflag:s29], $0xE40  }
0x44: {  	[sflag:s29] =	ssyncset.done @!p1 $0x0  }
0x45: {  	s30 =	simm.s32 @!p1 $0x0;
	s31 =	rddreg [dreg:$0x14];
	[sflag:s29] =	ssyncadd.s32 @!p1 $0xFFFFF1C0  }
0x46: {  	[hbm4b:s31+s30] =	stream.linear.scatter @!p1 [tilespmem:s28], [sflag:$0x2], $0xE40, $0x38;
	[tilespmem:$0x1F350] =	vst v63  }
0x47: {  	_ =	swait.ge @!p1 [sflag:s29], $0xE40  }
0x48: {  	[sflag:s29] =	ssyncset.done @!p1 $0x0  }
0x49: {  	s2 =	sld [smem:$0x7ED];
	[sflag:s29] =	ssyncadd.s32 @!p1 $0xFFFFF1C0  }
.LBB2_10:
0x4a: {  	s28 =	rddreg [dreg:$0x16];
	s29 =	simm.s32 $0x1AB50  }
0x4b: {  	s30 =	simm.s32 $0x1C7D0;
	s0 =	simm.s32 $0x1BBD0;
	s7 =	simm.s32 $0x1BC50  }
0x4c: {  	s8 =	simm.s32 $0x1C8D0;
	s9 =	simm.s32 $0x1BCD0;
	s10 =	simm.s32 $0x1C950  }
0x4d: {  	s11 =	simm.s32 $0x1BD50;
	s12 =	simm.s32 $0x1C9D0;
	s2 =	sadd.s32 $0x1, s2  }
0x4e: {  	s15 =	simm.s32 $0x1BDD0;
	s16 =	simm.s32 $0x1CA50;
	p2 =	sne.s32 s2, s28  }
.Ltmp1:
0x4f: {  	s18 =	simm.s32 $0x1BE50;
	s19 =	simm.s32 $0x1CAD0;
	(pc) =	sbr.rel @!p2 .LBB2_11-.Ltmp1, $4  }
0x50: {  	s5 =	simm.s32 $0x1BED0;
	s17 =	simm.s32 $0x1CB50;
	s25 =	simm.s32 $0x1BF50  }
0x51: {  	s6 =	simm.s32 $0x1CBD0;
	s13 =	simm.s32 $0x1BFD0;
	s14 =	simm.s32 $0x1CC50  }
0x52: {  	s23 =	simm.s32 $0x1C050;
	s22 =	simm.s32 $0x1CCD0;
	s24 =	simm.s32 $0x1BB50  }
0x53: {  	s31 =	simm.s32 $0x1C750;
	s28 =	smov.u32 s2;
	s2 =	simm.s32 $0x1C850  }
.LBB2_1:
0x54: {  	[smem:$0x7ED] =	sst s28  }
.Ltmp2:
0x55: {  	s28 =	rddreg [dreg:$0xa];
	(pc) =	sbr.rel @!p0 .LBB2_2-.Ltmp2, $4  }
0x56: {  	[tilespmem:s29], [sflag:$0x2] =	stream.linear.gather [hbm4b:s28+s4], $0x1000, $0x38;
	[tilespmem:$0x1F350] =	vst v63  }
0x57: {  	_ =	swait.ge [sflag:s21], $0x1000  }
0x58: {  	[sflag:s21] =	ssyncset.done $0x0  }
0x59: {  	[sflag:s21] =	ssyncadd.s32 $0xFFFFF000  }
0x5a: {  	s28 =	rddreg [dreg:$0x12]  }
0x5b: {  	[spmem:s28] =	stream.linear.scatter [tilespmem:s29], [sflag:$0x2], $0x1000, $0x38;
	[tilespmem:$0x1F350] =	vst v63  }
0x5c: {  	_ =	swait.ge [sflag:s21], $0x1000  }
0x5d: {  	[sflag:s21] =	ssyncset.done $0x0  }
0x5e: {  	s28 =	rddreg [dreg:$0x19];
	[sflag:s21] =	ssyncadd.s32 $0xFFFFF000  }
0x5f: {  	[spmem:s28] =	stream.linear.scatter [tilespmem:s29], [sflag:$0x2], $0x1000, $0x38;
	[tilespmem:$0x1F350] =	vst v63  }
0x60: {  	_ =	swait.ge [sflag:s21], $0x1000  }
0x61: {  	[sflag:s21] =	ssyncset.done $0x0  }
0x62: {  	s28 =	rddreg [dreg:$0x1a];
	[sflag:s21] =	ssyncadd.s32 $0xFFFFF000  }
0x63: {  	[spmem:s28] =	stream.linear.scatter [tilespmem:s29], [sflag:$0x2], $0x1000, $0x38;
	[tilespmem:$0x1F350] =	vst v63  }
0x64: {  	_ =	swait.ge [sflag:s21], $0x1000  }
0x65: {  	[sflag:s21] =	ssyncset.done $0x0  }
0x66: {  	s28 =	rddreg [dreg:$0x1b];
	[sflag:s21] =	ssyncadd.s32 $0xFFFFF000  }
0x67: {  	[spmem:s28] =	stream.linear.scatter [tilespmem:s29], [sflag:$0x2], $0x1000, $0x38;
	[tilespmem:$0x1F350] =	vst v63  }
0x68: {  	_ =	swait.ge [sflag:s21], $0x1000  }
0x69: {  	[sflag:s21] =	ssyncset.done $0x0  }
0x6a: {  	s28 =	rddreg [dreg:$0x1d];
	[sflag:s21] =	ssyncadd.s32 $0xFFFFF000  }
0x6b: {  	[spmem:s28] =	stream.linear.scatter [tilespmem:s29], [sflag:$0x2], $0x1000, $0x38;
	[tilespmem:$0x1F350] =	vst v63  }
0x6c: {  	_ =	swait.ge [sflag:s21], $0x1000  }
0x6d: {  	[sflag:s21] =	ssyncset.done $0x0  }
0x6e: {  	s28 =	rddreg [dreg:$0x1f];
	[sflag:s21] =	ssyncadd.s32 $0xFFFFF000  }
0x6f: {  	[spmem:s28] =	stream.linear.scatter [tilespmem:s29], [sflag:$0x2], $0x1000, $0x38;
	[tilespmem:$0x1F350] =	vst v63  }
0x70: {  	_ =	swait.ge [sflag:s21], $0x1000  }
0x71: {  	s28 =	sld [smem:$0x7EE]  }
0x72: {  	[sflag:s21] =	ssyncset.done $0x0  }
0x73: {  	[sflag:s21] =	ssyncadd.s32 $0xFFFFF000  }
0x74: {  	[spmem:s28] =	stream.linear.scatter [tilespmem:s29], [sflag:$0x2], $0x1000, $0x38;
	[tilespmem:$0x1F350] =	vst v63  }
0x75: {  	_ =	swait.ge [sflag:s21], $0x1000  }
0x76: {  	s28 =	sld [smem:$0x7EF]  }
0x77: {  	[sflag:s21] =	ssyncset.done $0x0  }
0x78: {  	[sflag:s21] =	ssyncadd.s32 $0xFFFFF000  }
0x79: {  	[spmem:s28] =	stream.linear.scatter [tilespmem:s29], [sflag:$0x2], $0x1000, $0x38;
	[tilespmem:$0x1F350] =	vst v63  }
0x7a: {  	_ =	swait.ge [sflag:s21], $0x1000  }
0x7b: {  	s28 =	sld [smem:$0x7F0]  }
0x7c: {  	[sflag:s21] =	ssyncset.done $0x0  }
0x7d: {  	[sflag:s21] =	ssyncadd.s32 $0xFFFFF000  }
0x7e: {  	[spmem:s28] =	stream.linear.scatter [tilespmem:s29], [sflag:$0x2], $0x1000, $0x38;
	[tilespmem:$0x1F350] =	vst v63  }
0x7f: {  	_ =	swait.ge [sflag:s21], $0x1000  }
0x80: {  	s28 =	sld [smem:$0x7F1]  }
0x81: {  	[sflag:s21] =	ssyncset.done $0x0  }
0x82: {  	[sflag:s21] =	ssyncadd.s32 $0xFFFFF000  }
0x83: {  	[spmem:s28] =	stream.linear.scatter [tilespmem:s29], [sflag:$0x2], $0x1000, $0x38;
	[tilespmem:$0x1F350] =	vst v63  }
0x84: {  	_ =	swait.ge [sflag:s21], $0x1000  }
0x85: {  	s28 =	sld [smem:$0x7F2]  }
0x86: {  	[sflag:s21] =	ssyncset.done $0x0  }
0x87: {  	[sflag:s21] =	ssyncadd.s32 $0xFFFFF000  }
0x88: {  	[spmem:s28] =	stream.linear.scatter [tilespmem:s29], [sflag:$0x2], $0x1000, $0x38;
	[tilespmem:$0x1F350] =	vst v63  }
0x89: {  	_ =	swait.ge [sflag:s21], $0x1000  }
0x8a: {  	s28 =	sld [smem:$0x7F3]  }
0x8b: {  	[sflag:s21] =	ssyncset.done $0x0  }
0x8c: {  	[sflag:s21] =	ssyncadd.s32 $0xFFFFF000  }
0x8d: {  	[spmem:s28] =	stream.linear.scatter [tilespmem:s29], [sflag:$0x2], $0x1000, $0x38;
	[tilespmem:$0x1F350] =	vst v63  }
0x8e: {  	_ =	swait.ge [sflag:s21], $0x1000  }
0x8f: {  	s28 =	sld [smem:$0x7F4]  }
0x90: {  	[sflag:s21] =	ssyncset.done $0x0  }
0x91: {  	[sflag:s21] =	ssyncadd.s32 $0xFFFFF000  }
0x92: {  	[spmem:s28] =	stream.linear.scatter [tilespmem:s29], [sflag:$0x2], $0x1000, $0x38;
	[tilespmem:$0x1F350] =	vst v63  }
0x93: {  	_ =	swait.ge [sflag:s21], $0x1000  }
0x94: {  	s28 =	sld [smem:$0x7F5]  }
0x95: {  	[sflag:s21] =	ssyncset.done $0x0  }
0x96: {  	[sflag:s21] =	ssyncadd.s32 $0xFFFFF000  }
0x97: {  	[spmem:s28] =	stream.linear.scatter [tilespmem:s29], [sflag:$0x2], $0x1000, $0x38;
	[tilespmem:$0x1F350] =	vst v63  }
0x98: {  	_ =	swait.ge [sflag:s21], $0x1000  }
0x99: {  	s28 =	sld [smem:$0x7F6]  }
0x9a: {  	[sflag:s21] =	ssyncset.done $0x0  }
0x9b: {  	[sflag:s21] =	ssyncadd.s32 $0xFFFFF000  }
0x9c: {  	[spmem:s28] =	stream.linear.scatter [tilespmem:s29], [sflag:$0x2], $0x1000, $0x38;
	[tilespmem:$0x1F350] =	vst v63  }
0x9d: {  	_ =	swait.ge [sflag:s21], $0x1000  }
0x9e: {  	s28 =	sld [smem:$0x7F7]  }
0x9f: {  	[sflag:s21] =	ssyncset.done $0x0  }
0xa0: {  	[sflag:s21] =	ssyncadd.s32 $0xFFFFF000  }
0xa1: {  	[spmem:s28] =	stream.linear.scatter [tilespmem:s29], [sflag:$0x2], $0x1000, $0x38;
	[tilespmem:$0x1F350] =	vst v63  }
0xa2: {  	_ =	swait.ge [sflag:s21], $0x1000  }
0xa3: {  	s28 =	sld [smem:$0x7F8]  }
0xa4: {  	[sflag:s21] =	ssyncset.done $0x0  }
0xa5: {  	[sflag:s21] =	ssyncadd.s32 $0xFFFFF000  }
0xa6: {  	[spmem:s28] =	stream.linear.scatter [tilespmem:s29], [sflag:$0x2], $0x1000, $0x38;
	[tilespmem:$0x1F350] =	vst v63  }
0xa7: {  	_ =	swait.ge [sflag:s21], $0x1000  }
0xa8: {  	s28 =	sld [smem:$0x7F9]  }
0xa9: {  	[sflag:s21] =	ssyncset.done $0x0  }
0xaa: {  	[sflag:s21] =	ssyncadd.s32 $0xFFFFF000  }
0xab: {  	[spmem:s28] =	stream.linear.scatter [tilespmem:s29], [sflag:$0x2], $0x1000, $0x38;
	[tilespmem:$0x1F350] =	vst v63  }
0xac: {  	_ =	swait.ge [sflag:s21], $0x1000  }
0xad: {  	s28 =	sld [smem:$0x7FA]  }
0xae: {  	[sflag:s21] =	ssyncset.done $0x0  }
0xaf: {  	[sflag:s21] =	ssyncadd.s32 $0xFFFFF000  }
0xb0: {  	[spmem:s28] =	stream.linear.scatter [tilespmem:s29], [sflag:$0x2], $0x1000, $0x38;
	[tilespmem:$0x1F350] =	vst v63  }
0xb1: {  	_ =	swait.ge [sflag:s21], $0x1000  }
0xb2: {  	s28 =	sld [smem:$0x7FB]  }
0xb3: {  	[sflag:s21] =	ssyncset.done $0x0  }
0xb4: {  	[sflag:s21] =	ssyncadd.s32 $0xFFFFF000  }
0xb5: {  	[spmem:s28] =	stream.linear.scatter [tilespmem:s29], [sflag:$0x2], $0x1000, $0x38;
	[tilespmem:$0x1F350] =	vst v63  }
0xb6: {  	_ =	swait.ge [sflag:s21], $0x1000  }
0xb7: {  	s28 =	sld [smem:$0x7FC]  }
0xb8: {  	[sflag:s21] =	ssyncset.done $0x0  }
0xb9: {  	[sflag:s21] =	ssyncadd.s32 $0xFFFFF000  }
0xba: {  	[spmem:s28] =	stream.linear.scatter [tilespmem:s29], [sflag:$0x2], $0x1000, $0x38;
	[tilespmem:$0x1F350] =	vst v63  }
0xbb: {  	_ =	swait.ge [sflag:s21], $0x1000  }
0xbc: {  	s28 =	sld [smem:$0x7FD]  }
0xbd: {  	[sflag:s21] =	ssyncset.done $0x0  }
0xbe: {  	[sflag:s21] =	ssyncadd.s32 $0xFFFFF000  }
0xbf: {  	[spmem:s28] =	stream.linear.scatter [tilespmem:s29], [sflag:$0x2], $0x1000, $0x38;
	[tilespmem:$0x1F350] =	vst v63  }
0xc0: {  	_ =	swait.ge [sflag:s21], $0x1000  }
0xc1: {  	[sflag:s21] =	ssyncset.done $0x0  }
0xc2: {  	s28 =	rddreg [dreg:$0x13];
	[sflag:s21] =	ssyncadd.s32 $0xFFFFF000  }
0xc3: {  	[spmem:s28] =	stream.linear.scatter [tilespmem:s29], [sflag:$0x2], $0xE40, $0x38;
	[tilespmem:$0x1F350] =	vst v63  }
0xc4: {  	_ =	swait.ge [sflag:s21], $0xE40  }
0xc5: {  	[sflag:s21] =	ssyncset.done $0x0  }
0xc6: {  	[sflag:s21] =	ssyncadd.s32 $0xFFFFF1C0  }
0xc7: {  	[bflag:$0x0] =	sbarrier.arrive $0xFFFF  }
0xc8: {  	s28 =	rddreg [dreg:$0x8]  }
0xc9: {  	s28 =	sadd.s32 $0x0, s28  }
0xca: {  	[tilespmem:s24], [sflag:$0x2] =	stream.linear.gather [hbm4b:s28+s4], $0xC00, $0x38;
	[tilespmem:$0x1F350] =	vst v63  }
0xcb: {  	_ =	swait.ge [sflag:s21], $0xC00  }
0xcc: {  	s28 =	rddreg [dreg:$0x9];
	[sflag:s21] =	ssyncset.done $0x0  }
0xcd: {  	[sflag:s21] =	ssyncadd.s32 $0xFFFFF400;
	s28 =	sadd.s32 $0x0, s28  }
0xce: {  	[tilespmem:s31], [sflag:$0x2] =	stream.linear.gather [hbm4b:s28+s4], $0xC00, $0x38;
	[tilespmem:$0x1F350] =	vst v63  }
0xcf: {  	_ =	swait.ge [sflag:s21], $0xC00  }
0xd0: {  	[sflag:s21] =	ssyncset.done $0x0  }
0xd1: {  	[sflag:s21] =	ssyncadd.s32 $0xFFFFF400  }
0xd2: {  	[spmem:s3] =	stream.indirect.scatter.add.f32 [tilespmem:s24], [sflag:$0x1], $0x1, s31, s26, $0xb8;
	[tilespmem:$0x1F350] =	vst v63  }
0xd3: {  	_ = 	snop  }
0xd4: {  	[spmem:s3] =	stream.indirect.scatter.add.f32 [tilespmem:s0], [sflag:$0x1], $0x1, s30, s26, $0xb8;
	[tilespmem:$0x1F350] =	vst v63  }
0xd5: {  	_ = 	snop  }
0xd6: {  	[spmem:s3] =	stream.indirect.scatter.add.f32 [tilespmem:s7], [sflag:$0x1], $0x1, s2, s26, $0xb8;
	[tilespmem:$0x1F350] =	vst v63  }
0xd7: {  	_ = 	snop  }
0xd8: {  	[spmem:s3] =	stream.indirect.scatter.add.f32 [tilespmem:s9], [sflag:$0x1], $0x1, s8, s26, $0xb8;
	[tilespmem:$0x1F350] =	vst v63  }
0xd9: {  	_ = 	snop  }
0xda: {  	[spmem:s3] =	stream.indirect.scatter.add.f32 [tilespmem:s11], [sflag:$0x1], $0x1, s10, s26, $0xb8;
	[tilespmem:$0x1F350] =	vst v63  }
0xdb: {  	_ = 	snop  }
0xdc: {  	[spmem:s3] =	stream.indirect.scatter.add.f32 [tilespmem:s15], [sflag:$0x1], $0x1, s12, s26, $0xb8;
	[tilespmem:$0x1F350] =	vst v63  }
0xdd: {  	_ = 	snop  }
0xde: {  	[spmem:s3] =	stream.indirect.scatter.add.f32 [tilespmem:s18], [sflag:$0x1], $0x1, s16, s26, $0xb8;
	[tilespmem:$0x1F350] =	vst v63  }
0xdf: {  	_ = 	snop  }
0xe0: {  	[spmem:s3] =	stream.indirect.scatter.add.f32 [tilespmem:s5], [sflag:$0x1], $0x1, s19, s26, $0xb8;
	[tilespmem:$0x1F350] =	vst v63  }
0xe1: {  	_ = 	snop  }
0xe2: {  	[spmem:s3] =	stream.indirect.scatter.add.f32 [tilespmem:s25], [sflag:$0x1], $0x1, s17, s26, $0xb8;
	[tilespmem:$0x1F350] =	vst v63  }
0xe3: {  	_ = 	snop  }
0xe4: {  	[spmem:s3] =	stream.indirect.scatter.add.f32 [tilespmem:s13], [sflag:$0x1], $0x1, s6, s26, $0xb8;
	[tilespmem:$0x1F350] =	vst v63  }
0xe5: {  	_ = 	snop  }
0xe6: {  	[spmem:s3] =	stream.indirect.scatter.add.f32 [tilespmem:s23], [sflag:$0x1], $0x1, s14, s26, $0xb8;
	[tilespmem:$0x1F350] =	vst v63  }
0xe7: {  	s19 =	simm.s32 $0x1C0D0  }
0xe8: {  	[spmem:s3] =	stream.indirect.scatter.add.f32 [tilespmem:s19], [sflag:$0x1], $0x1, s22, s26, $0xb8;
	[tilespmem:$0x1F350] =	vst v63  }
0xe9: {  	s24 =	simm.s32 $0x1C150;
	s23 =	simm.s32 $0x1CD50  }
0xea: {  	[spmem:s3] =	stream.indirect.scatter.add.f32 [tilespmem:s24], [sflag:$0x1], $0x1, s23, s26, $0xb8;
	[tilespmem:$0x1F350] =	vst v63  }
0xeb: {  	s31 =	simm.s32 $0x1C1D0;
	s25 =	simm.s32 $0x1CDD0  }
0xec: {  	[spmem:s3] =	stream.indirect.scatter.add.f32 [tilespmem:s31], [sflag:$0x1], $0x1, s25, s26, $0xb8;
	[tilespmem:$0x1F350] =	vst v63  }
0xed: {  	s5 =	simm.s32 $0x1CE50;
	s6 =	simm.s32 $0x1C250  }
0xee: {  	[spmem:s3] =	stream.indirect.scatter.add.f32 [tilespmem:s6], [sflag:$0x1], $0x1, s5, s26, $0xb8;
	[tilespmem:$0x1F350] =	vst v63  }
0xef: {  	s7 =	simm.s32 $0x1CED0;
	s8 =	simm.s32 $0x1C2D0  }
0xf0: {  	[spmem:s3] =	stream.indirect.scatter.add.f32 [tilespmem:s8], [sflag:$0x1], $0x1, s7, s26, $0xb8;
	[tilespmem:$0x1F350] =	vst v63  }
0xf1: {  	s9 =	simm.s32 $0x1CF50;
	s10 =	simm.s32 $0x1C350  }
0xf2: {  	[spmem:s3] =	stream.indirect.scatter.add.f32 [tilespmem:s10], [sflag:$0x1], $0x1, s9, s26, $0xb8;
	[tilespmem:$0x1F350] =	vst v63  }
0xf3: {  	s11 =	simm.s32 $0x1CFD0;
	s12 =	simm.s32 $0x1C3D0  }
0xf4: {  	[spmem:s3] =	stream.indirect.scatter.add.f32 [tilespmem:s12], [sflag:$0x1], $0x1, s11, s26, $0xb8;
	[tilespmem:$0x1F350] =	vst v63  }
0xf5: {  	s13 =	simm.s32 $0x1D050;
	s14 =	simm.s32 $0x1C450  }
0xf6: {  	[spmem:s3] =	stream.indirect.scatter.add.f32 [tilespmem:s14], [sflag:$0x1], $0x1, s13, s26, $0xb8;
	[tilespmem:$0x1F350] =	vst v63  }
0xf7: {  	s15 =	simm.s32 $0x1D0D0;
	s16 =	simm.s32 $0x1C4D0  }
0xf8: {  	[spmem:s3] =	stream.indirect.scatter.add.f32 [tilespmem:s16], [sflag:$0x1], $0x1, s15, s26, $0xb8;
	[tilespmem:$0x1F350] =	vst v63  }
0xf9: {  	s18 =	simm.s32 $0x1C550;
	s17 =	simm.s32 $0x1D150  }
0xfa: {  	[spmem:s3] =	stream.indirect.scatter.add.f32 [tilespmem:s18], [sflag:$0x1], $0x1, s17, s26, $0xb8;
	[tilespmem:$0x1F350] =	vst v63  }
0xfb: {  	s19 =	simm.s32 $0x1D1D0;
	s22 =	simm.s32 $0x1C5D0  }
0xfc: {  	[spmem:s3] =	stream.indirect.scatter.add.f32 [tilespmem:s22], [sflag:$0x1], $0x1, s19, s26, $0xb8;
	[tilespmem:$0x1F350] =	vst v63  }
0xfd: {  	s23 =	simm.s32 $0x1D250;
	s24 =	simm.s32 $0x1C650  }
0xfe: {  	[spmem:s3] =	stream.indirect.scatter.add.f32 [tilespmem:s24], [sflag:$0x1], $0x1, s23, s26, $0xb8;
	[tilespmem:$0x1F350] =	vst v63  }
0xff: {  	s25 =	simm.s32 $0x1D2D0;
	s31 =	simm.s32 $0x1C6D0  }
0x100: {  	[spmem:s3] =	stream.indirect.scatter.add.f32 [tilespmem:s31], [sflag:$0x1], $0x1, s25, s26, $0xb8;
	[tilespmem:$0x1F350] =	vst v63  }
0x101: {  	_ =	swait.ge [sflag:s20], $0x80  }
0x102: {  	[sflag:s20] =	ssyncset.done $0x0  }
0x103: {  	[sflag:s20] =	ssyncadd.s32 $0xFFFFFF80  }
0x104: {  	_ =	swait.ge [sflag:s20], $0x80  }
0x105: {  	[sflag:s20] =	ssyncset.done $0x0  }
0x106: {  	[sflag:s20] =	ssyncadd.s32 $0xFFFFFF80  }
0x107: {  	_ =	swait.ge [sflag:s20], $0x80  }
0x108: {  	[sflag:s20] =	ssyncset.done $0x0  }
0x109: {  	[sflag:s20] =	ssyncadd.s32 $0xFFFFFF80  }
0x10a: {  	_ =	swait.ge [sflag:s20], $0x80  }
0x10b: {  	[sflag:s20] =	ssyncset.done $0x0  }
0x10c: {  	[sflag:s20] =	ssyncadd.s32 $0xFFFFFF80  }
0x10d: {  	_ =	swait.ge [sflag:s20], $0x80  }
0x10e: {  	[sflag:s20] =	ssyncset.done $0x0  }
0x10f: {  	[sflag:s20] =	ssyncadd.s32 $0xFFFFFF80  }
0x110: {  	_ =	swait.ge [sflag:s20], $0x80  }
0x111: {  	[sflag:s20] =	ssyncset.done $0x0  }
0x112: {  	[sflag:s20] =	ssyncadd.s32 $0xFFFFFF80  }
0x113: {  	_ =	swait.ge [sflag:s20], $0x80  }
0x114: {  	[sflag:s20] =	ssyncset.done $0x0  }
0x115: {  	[sflag:s20] =	ssyncadd.s32 $0xFFFFFF80  }
0x116: {  	_ =	swait.ge [sflag:s20], $0x80  }
0x117: {  	[sflag:s20] =	ssyncset.done $0x0  }
0x118: {  	[sflag:s20] =	ssyncadd.s32 $0xFFFFFF80  }
0x119: {  	_ =	swait.ge [sflag:s20], $0x80  }
0x11a: {  	[sflag:s20] =	ssyncset.done $0x0  }
0x11b: {  	[sflag:s20] =	ssyncadd.s32 $0xFFFFFF80  }
0x11c: {  	_ =	swait.ge [sflag:s20], $0x80  }
0x11d: {  	[sflag:s20] =	ssyncset.done $0x0  }
0x11e: {  	[sflag:s20] =	ssyncadd.s32 $0xFFFFFF80  }
0x11f: {  	_ =	swait.ge [sflag:s20], $0x80  }
0x120: {  	[sflag:s20] =	ssyncset.done $0x0  }
0x121: {  	[sflag:s20] =	ssyncadd.s32 $0xFFFFFF80  }
0x122: {  	_ =	swait.ge [sflag:s20], $0x80  }
0x123: {  	[sflag:s20] =	ssyncset.done $0x0  }
0x124: {  	[sflag:s20] =	ssyncadd.s32 $0xFFFFFF80  }
0x125: {  	_ =	swait.ge [sflag:s20], $0x80  }
0x126: {  	[sflag:s20] =	ssyncset.done $0x0  }
0x127: {  	[sflag:s20] =	ssyncadd.s32 $0xFFFFFF80  }
0x128: {  	_ =	swait.ge [sflag:s20], $0x80  }
0x129: {  	[sflag:s20] =	ssyncset.done $0x0  }
0x12a: {  	[sflag:s20] =	ssyncadd.s32 $0xFFFFFF80  }
0x12b: {  	_ =	swait.ge [sflag:s20], $0x80  }
0x12c: {  	[sflag:s20] =	ssyncset.done $0x0  }
0x12d: {  	[sflag:s20] =	ssyncadd.s32 $0xFFFFFF80  }
0x12e: {  	_ =	swait.ge [sflag:s20], $0x80  }
0x12f: {  	[sflag:s20] =	ssyncset.done $0x0  }
0x130: {  	[sflag:s20] =	ssyncadd.s32 $0xFFFFFF80  }
0x131: {  	_ =	swait.ge [sflag:s20], $0x80  }
0x132: {  	[sflag:s20] =	ssyncset.done $0x0  }
0x133: {  	[sflag:s20] =	ssyncadd.s32 $0xFFFFFF80  }
0x134: {  	_ =	swait.ge [sflag:s20], $0x80  }
0x135: {  	[sflag:s20] =	ssyncset.done $0x0  }
0x136: {  	[sflag:s20] =	ssyncadd.s32 $0xFFFFFF80  }
0x137: {  	_ =	swait.ge [sflag:s20], $0x80  }
0x138: {  	[sflag:s20] =	ssyncset.done $0x0  }
0x139: {  	[sflag:s20] =	ssyncadd.s32 $0xFFFFFF80  }
0x13a: {  	_ =	swait.ge [sflag:s20], $0x80  }
0x13b: {  	[sflag:s20] =	ssyncset.done $0x0  }
0x13c: {  	s29 =	simm.s32 $0x300;
	[sflag:s20] =	ssyncadd.s32 $0xFFFFFF80  }
0x13d: {  	s28 =	simm.s32 $0x180;
	s0 =	simm.s32 $0x1BBD0;
	_ =	swait.ge [sflag:s20], $0x80  }
0x13e: {  	s2 =	simm.s32 $0x1C850;
	s5 =	simm.s32 $0x1BED0;
	[sflag:s20] =	ssyncset.done $0x0  }
0x13f: {  	s6 =	simm.s32 $0x1CBD0;
	s7 =	simm.s32 $0x1BC50;
	[sflag:s20] =	ssyncadd.s32 $0xFFFFFF80  }
0x140: {  	s8 =	simm.s32 $0x1C8D0;
	s9 =	simm.s32 $0x1BCD0;
	_ =	swait.ge [sflag:s20], $0x80  }
0x141: {  	s10 =	simm.s32 $0x1C950;
	s11 =	simm.s32 $0x1BD50;
	[sflag:s20] =	ssyncset.done $0x0  }
0x142: {  	s12 =	simm.s32 $0x1C9D0;
	s13 =	simm.s32 $0x1BFD0;
	[sflag:s20] =	ssyncadd.s32 $0xFFFFFF80  }
0x143: {  	s15 =	simm.s32 $0x1BDD0;
	s16 =	simm.s32 $0x1CA50;
	_ =	swait.ge [sflag:s20], $0x80  }
0x144: {  	s18 =	simm.s32 $0x1BE50;
	s17 =	simm.s32 $0x1CB50;
	[sflag:s20] =	ssyncset.done $0x0  }
0x145: {  	s19 =	simm.s32 $0x1CAD0;
	s22 =	simm.s32 $0x1C750;
	[sflag:s20] =	ssyncadd.s32 $0xFFFFFF80  }
0x146: {  	s23 =	simm.s32 $0x1C050;
	s24 =	simm.s32 $0x1BB50;
	_ =	swait.ge [sflag:s20], $0x80  }
0x147: {  	s25 =	simm.s32 $0x1BF50;
	s30 =	rddreg [dreg:$0x8];
	[sflag:s20] =	ssyncset.done $0x0  }
.LBB2_6:
0x148: {  	[sflag:s20] =	ssyncadd.s32 $0xFFFFFF80;
	s30 =	sadd.s32 s28, s30  }
0x149: {  	[tilespmem:s24], [sflag:$0x2] =	stream.linear.gather [hbm4b:s30+s4], $0xC00, $0x38;
	[tilespmem:$0x1F350] =	vst v63  }
0x14a: {  	_ =	swait.ge [sflag:s21], $0xC00  }
0x14b: {  	s30 =	rddreg [dreg:$0x9];
	[sflag:s21] =	ssyncset.done $0x0  }
0x14c: {  	[sflag:s21] =	ssyncadd.s32 $0xFFFFF400;
	s30 =	sadd.s32 s28, s30  }
0x14d: {  	[tilespmem:s22], [sflag:$0x2] =	stream.linear.gather [hbm4b:s30+s4], $0xC00, $0x38;
	[tilespmem:$0x1F350] =	vst v63  }
0x14e: {  	_ =	swait.ge [sflag:s21], $0xC00  }
0x14f: {  	[sflag:s21] =	ssyncset.done $0x0  }
0x150: {  	s31 =	smov.u32 s29;
	[sflag:s21] =	ssyncadd.s32 $0xFFFFF400  }
0x151: {  	[spmem:s3] =	stream.indirect.scatter.add.f32 [tilespmem:s24], [sflag:$0x1], $0x1, s22, s26, $0xb8;
	[tilespmem:$0x1F350] =	vst v63  }
0x152: {  	s28 =	smov.u32 s31;
	s31 =	simm.s32 $0x1C7D0  }
0x153: {  	[spmem:s3] =	stream.indirect.scatter.add.f32 [tilespmem:s0], [sflag:$0x1], $0x1, s31, s26, $0xb8;
	[tilespmem:$0x1F350] =	vst v63  }
0x154: {  	_ = 	snop  }
0x155: {  	[spmem:s3] =	stream.indirect.scatter.add.f32 [tilespmem:s7], [sflag:$0x1], $0x1, s2, s26, $0xb8;
	[tilespmem:$0x1F350] =	vst v63  }
0x156: {  	_ = 	snop  }
0x157: {  	[spmem:s3] =	stream.indirect.scatter.add.f32 [tilespmem:s9], [sflag:$0x1], $0x1, s8, s26, $0xb8;
	[tilespmem:$0x1F350] =	vst v63  }
0x158: {  	_ = 	snop  }
0x159: {  	[spmem:s3] =	stream.indirect.scatter.add.f32 [tilespmem:s11], [sflag:$0x1], $0x1, s10, s26, $0xb8;
	[tilespmem:$0x1F350] =	vst v63  }
0x15a: {  	_ = 	snop  }
0x15b: {  	[spmem:s3] =	stream.indirect.scatter.add.f32 [tilespmem:s15], [sflag:$0x1], $0x1, s12, s26, $0xb8;
	[tilespmem:$0x1F350] =	vst v63  }
0x15c: {  	_ = 	snop  }
0x15d: {  	[spmem:s3] =	stream.indirect.scatter.add.f32 [tilespmem:s18], [sflag:$0x1], $0x1, s16, s26, $0xb8;
	[tilespmem:$0x1F350] =	vst v63  }
0x15e: {  	_ = 	snop  }
0x15f: {  	[spmem:s3] =	stream.indirect.scatter.add.f32 [tilespmem:s5], [sflag:$0x1], $0x1, s19, s26, $0xb8;
	[tilespmem:$0x1F350] =	vst v63  }
0x160: {  	_ = 	snop  }
0x161: {  	[spmem:s3] =	stream.indirect.scatter.add.f32 [tilespmem:s25], [sflag:$0x1], $0x1, s17, s26, $0xb8;
	[tilespmem:$0x1F350] =	vst v63  }
0x162: {  	_ = 	snop  }
0x163: {  	[spmem:s3] =	stream.indirect.scatter.add.f32 [tilespmem:s13], [sflag:$0x1], $0x1, s6, s26, $0xb8;
	[tilespmem:$0x1F350] =	vst v63  }
0x164: {  	s14 =	simm.s32 $0x1CC50  }
0x165: {  	[spmem:s3] =	stream.indirect.scatter.add.f32 [tilespmem:s23], [sflag:$0x1], $0x1, s14, s26, $0xb8;
	[tilespmem:$0x1F350] =	vst v63  }
0x166: {  	s30 =	simm.s32 $0x1C0D0;
	s14 =	simm.s32 $0x1CCD0  }
0x167: {  	[spmem:s3] =	stream.indirect.scatter.add.f32 [tilespmem:s30], [sflag:$0x1], $0x1, s14, s26, $0xb8;
	[tilespmem:$0x1F350] =	vst v63  }
0x168: {  	s30 =	simm.s32 $0x1CD50;
	s14 =	simm.s32 $0x1C150  }
0x169: {  	[spmem:s3] =	stream.indirect.scatter.add.f32 [tilespmem:s14], [sflag:$0x1], $0x1, s30, s26, $0xb8;
	[tilespmem:$0x1F350] =	vst v63  }
0x16a: {  	s30 =	simm.s32 $0x1CDD0;
	s14 =	simm.s32 $0x1C1D0  }
0x16b: {  	[spmem:s3] =	stream.indirect.scatter.add.f32 [tilespmem:s14], [sflag:$0x1], $0x1, s30, s26, $0xb8;
	[tilespmem:$0x1F350] =	vst v63  }
0x16c: {  	s30 =	simm.s32 $0x1CE50;
	s14 =	simm.s32 $0x1C250  }
0x16d: {  	[spmem:s3] =	stream.indirect.scatter.add.f32 [tilespmem:s14], [sflag:$0x1], $0x1, s30, s26, $0xb8;
	[tilespmem:$0x1F350] =	vst v63  }
0x16e: {  	s30 =	simm.s32 $0x1CED0;
	s14 =	simm.s32 $0x1C2D0  }
0x16f: {  	[spmem:s3] =	stream.indirect.scatter.add.f32 [tilespmem:s14], [sflag:$0x1], $0x1, s30, s26, $0xb8;
	[tilespmem:$0x1F350] =	vst v63  }
0x170: {  	s30 =	simm.s32 $0x1CF50;
	s14 =	simm.s32 $0x1C350  }
0x171: {  	[spmem:s3] =	stream.indirect.scatter.add.f32 [tilespmem:s14], [sflag:$0x1], $0x1, s30, s26, $0xb8;
	[tilespmem:$0x1F350] =	vst v63  }
0x172: {  	s30 =	simm.s32 $0x1CFD0;
	s14 =	simm.s32 $0x1C3D0  }
0x173: {  	[spmem:s3] =	stream.indirect.scatter.add.f32 [tilespmem:s14], [sflag:$0x1], $0x1, s30, s26, $0xb8;
	[tilespmem:$0x1F350] =	vst v63  }
0x174: {  	s30 =	simm.s32 $0x1D050;
	s14 =	simm.s32 $0x1C450  }
0x175: {  	[spmem:s3] =	stream.indirect.scatter.add.f32 [tilespmem:s14], [sflag:$0x1], $0x1, s30, s26, $0xb8;
	[tilespmem:$0x1F350] =	vst v63  }
0x176: {  	s30 =	simm.s32 $0x1D0D0;
	s14 =	simm.s32 $0x1C4D0  }
0x177: {  	[spmem:s3] =	stream.indirect.scatter.add.f32 [tilespmem:s14], [sflag:$0x1], $0x1, s30, s26, $0xb8;
	[tilespmem:$0x1F350] =	vst v63  }
0x178: {  	s30 =	simm.s32 $0x1D150;
	s14 =	simm.s32 $0x1C550  }
0x179: {  	[spmem:s3] =	stream.indirect.scatter.add.f32 [tilespmem:s14], [sflag:$0x1], $0x1, s30, s26, $0xb8;
	[tilespmem:$0x1F350] =	vst v63  }
0x17a: {  	s30 =	simm.s32 $0x1D1D0;
	s14 =	simm.s32 $0x1C5D0  }
0x17b: {  	[spmem:s3] =	stream.indirect.scatter.add.f32 [tilespmem:s14], [sflag:$0x1], $0x1, s30, s26, $0xb8;
	[tilespmem:$0x1F350] =	vst v63  }
0x17c: {  	s30 =	simm.s32 $0x1D250;
	s14 =	simm.s32 $0x1C650  }
0x17d: {  	[spmem:s3] =	stream.indirect.scatter.add.f32 [tilespmem:s14], [sflag:$0x1], $0x1, s30, s26, $0xb8;
	[tilespmem:$0x1F350] =	vst v63  }
0x17e: {  	s30 =	simm.s32 $0x1D2D0;
	s14 =	simm.s32 $0x1C6D0  }
0x17f: {  	[spmem:s3] =	stream.indirect.scatter.add.f32 [tilespmem:s14], [sflag:$0x1], $0x1, s30, s26, $0xb8;
	[tilespmem:$0x1F350] =	vst v63  }
0x180: {  	_ =	swait.ge [sflag:s20], $0x80  }
0x181: {  	[sflag:s20] =	ssyncset.done $0x0  }
0x182: {  	[sflag:s20] =	ssyncadd.s32 $0xFFFFFF80  }
0x183: {  	_ =	swait.ge [sflag:s20], $0x80  }
0x184: {  	[sflag:s20] =	ssyncset.done $0x0  }
0x185: {  	[sflag:s20] =	ssyncadd.s32 $0xFFFFFF80  }
0x186: {  	_ =	swait.ge [sflag:s20], $0x80  }
0x187: {  	[sflag:s20] =	ssyncset.done $0x0  }
0x188: {  	[sflag:s20] =	ssyncadd.s32 $0xFFFFFF80  }
0x189: {  	_ =	swait.ge [sflag:s20], $0x80  }
0x18a: {  	[sflag:s20] =	ssyncset.done $0x0  }
0x18b: {  	[sflag:s20] =	ssyncadd.s32 $0xFFFFFF80  }
0x18c: {  	_ =	swait.ge [sflag:s20], $0x80  }
0x18d: {  	[sflag:s20] =	ssyncset.done $0x0  }
0x18e: {  	[sflag:s20] =	ssyncadd.s32 $0xFFFFFF80  }
0x18f: {  	_ =	swait.ge [sflag:s20], $0x80  }
0x190: {  	[sflag:s20] =	ssyncset.done $0x0  }
0x191: {  	[sflag:s20] =	ssyncadd.s32 $0xFFFFFF80  }
0x192: {  	_ =	swait.ge [sflag:s20], $0x80  }
0x193: {  	[sflag:s20] =	ssyncset.done $0x0  }
0x194: {  	[sflag:s20] =	ssyncadd.s32 $0xFFFFFF80  }
0x195: {  	_ =	swait.ge [sflag:s20], $0x80  }
0x196: {  	[sflag:s20] =	ssyncset.done $0x0  }
0x197: {  	[sflag:s20] =	ssyncadd.s32 $0xFFFFFF80  }
0x198: {  	_ =	swait.ge [sflag:s20], $0x80  }
0x199: {  	[sflag:s20] =	ssyncset.done $0x0  }
0x19a: {  	[sflag:s20] =	ssyncadd.s32 $0xFFFFFF80  }
0x19b: {  	_ =	swait.ge [sflag:s20], $0x80  }
0x19c: {  	[sflag:s20] =	ssyncset.done $0x0  }
0x19d: {  	[sflag:s20] =	ssyncadd.s32 $0xFFFFFF80  }
0x19e: {  	_ =	swait.ge [sflag:s20], $0x80  }
0x19f: {  	[sflag:s20] =	ssyncset.done $0x0  }
0x1a0: {  	[sflag:s20] =	ssyncadd.s32 $0xFFFFFF80  }
0x1a1: {  	_ =	swait.ge [sflag:s20], $0x80  }
0x1a2: {  	[sflag:s20] =	ssyncset.done $0x0  }
0x1a3: {  	[sflag:s20] =	ssyncadd.s32 $0xFFFFFF80  }
0x1a4: {  	_ =	swait.ge [sflag:s20], $0x80  }
0x1a5: {  	[sflag:s20] =	ssyncset.done $0x0  }
0x1a6: {  	[sflag:s20] =	ssyncadd.s32 $0xFFFFFF80  }
0x1a7: {  	_ =	swait.ge [sflag:s20], $0x80  }
0x1a8: {  	[sflag:s20] =	ssyncset.done $0x0  }
0x1a9: {  	[sflag:s20] =	ssyncadd.s32 $0xFFFFFF80  }
0x1aa: {  	_ =	swait.ge [sflag:s20], $0x80  }
0x1ab: {  	[sflag:s20] =	ssyncset.done $0x0  }
0x1ac: {  	[sflag:s20] =	ssyncadd.s32 $0xFFFFFF80  }
0x1ad: {  	_ =	swait.ge [sflag:s20], $0x80  }
0x1ae: {  	[sflag:s20] =	ssyncset.done $0x0  }
0x1af: {  	[sflag:s20] =	ssyncadd.s32 $0xFFFFFF80  }
0x1b0: {  	_ =	swait.ge [sflag:s20], $0x80  }
0x1b1: {  	[sflag:s20] =	ssyncset.done $0x0  }
0x1b2: {  	[sflag:s20] =	ssyncadd.s32 $0xFFFFFF80  }
0x1b3: {  	_ =	swait.ge [sflag:s20], $0x80  }
0x1b4: {  	[sflag:s20] =	ssyncset.done $0x0  }
0x1b5: {  	[sflag:s20] =	ssyncadd.s32 $0xFFFFFF80  }
0x1b6: {  	_ =	swait.ge [sflag:s20], $0x80  }
0x1b7: {  	[sflag:s20] =	ssyncset.done $0x0  }
0x1b8: {  	[sflag:s20] =	ssyncadd.s32 $0xFFFFFF80  }
0x1b9: {  	_ =	swait.ge [sflag:s20], $0x80  }
0x1ba: {  	[sflag:s20] =	ssyncset.done $0x0  }
0x1bb: {  	[sflag:s20] =	ssyncadd.s32 $0xFFFFFF80  }
0x1bc: {  	_ =	swait.ge [sflag:s20], $0x80  }
0x1bd: {  	[sflag:s20] =	ssyncset.done $0x0  }
0x1be: {  	[sflag:s20] =	ssyncadd.s32 $0xFFFFFF80  }
0x1bf: {  	_ =	swait.ge [sflag:s20], $0x80  }
0x1c0: {  	[sflag:s20] =	ssyncset.done $0x0  }
0x1c1: {  	p2 =	sne.s32 s29, $0x5B80;
	[sflag:s20] =	ssyncadd.s32 $0xFFFFFF80  }
.Ltmp3:
0x1c2: {  	_ =	swait.ge [sflag:s20], $0x80;
	(pc) =	sbr.rel @p2 .LBB2_6-.Ltmp3, $4  }
0x1c3: {  	[sflag:s20] =	ssyncset.done $0x0  }
0x1c4: {  	[sflag:s20] =	ssyncadd.s32 $0xFFFFFF80  }
0x1c5: {  	_ =	swait.ge [sflag:s20], $0x80  }
0x1c6: {  	s29 =	sadd.s32 $0x180, s29;
	s30 =	rddreg [dreg:$0x8];
	[sflag:s20] =	ssyncset.done $0x0  }
0x1c7: {  	[sflag:s20] =	ssyncadd.s32 $0xFFFFFF80;
	s29 =	sadd.s32 s28, s30  }
0x1c8: {  	[tilespmem:s24], [sflag:$0x2] =	stream.linear.gather [hbm4b:s29+s4], $0xC00, $0x38;
	[tilespmem:$0x1F350] =	vst v63  }
0x1c9: {  	_ =	swait.ge [sflag:s21], $0xC00  }
0x1ca: {  	s29 =	rddreg [dreg:$0x9];
	[sflag:s21] =	ssyncset.done $0x0  }
0x1cb: {  	[sflag:s21] =	ssyncadd.s32 $0xFFFFF400;
	s28 =	sadd.s32 s28, s29  }
0x1cc: {  	[tilespmem:s22], [sflag:$0x2] =	stream.linear.gather [hbm4b:s28+s4], $0xC00, $0x38;
	[tilespmem:$0x1F350] =	vst v63  }
0x1cd: {  	_ =	swait.ge [sflag:s21], $0xC00  }
0x1ce: {  	[sflag:s21] =	ssyncset.done $0x0  }
0x1cf: {  	[sflag:s21] =	ssyncadd.s32 $0xFFFFF400  }
0x1d0: {  	[spmem:s3] =	stream.indirect.scatter.add.f32 [tilespmem:s24], [sflag:$0x1], $0x1, s22, s26, $0xb8;
	[tilespmem:$0x1F350] =	vst v63  }
0x1d1: {  	_ = 	snop  }
0x1d2: {  	[spmem:s3] =	stream.indirect.scatter.add.f32 [tilespmem:s0], [sflag:$0x1], $0x1, s31, s26, $0xb8;
	[tilespmem:$0x1F350] =	vst v63  }
0x1d3: {  	_ = 	snop  }
0x1d4: {  	[spmem:s3] =	stream.indirect.scatter.add.f32 [tilespmem:s7], [sflag:$0x1], $0x1, s2, s26, $0xb8;
	[tilespmem:$0x1F350] =	vst v63  }
0x1d5: {  	_ = 	snop  }
0x1d6: {  	[spmem:s3] =	stream.indirect.scatter.add.f32 [tilespmem:s9], [sflag:$0x1], $0x1, s8, s26, $0xb8;
	[tilespmem:$0x1F350] =	vst v63  }
0x1d7: {  	_ = 	snop  }
0x1d8: {  	[spmem:s3] =	stream.indirect.scatter.add.f32 [tilespmem:s11], [sflag:$0x1], $0x1, s10, s26, $0xb8;
	[tilespmem:$0x1F350] =	vst v63  }
0x1d9: {  	_ = 	snop  }
0x1da: {  	[spmem:s3] =	stream.indirect.scatter.add.f32 [tilespmem:s15], [sflag:$0x1], $0x1, s12, s26, $0xb8;
	[tilespmem:$0x1F350] =	vst v63  }
0x1db: {  	_ = 	snop  }
0x1dc: {  	[spmem:s3] =	stream.indirect.scatter.add.f32 [tilespmem:s18], [sflag:$0x1], $0x1, s16, s26, $0xb8;
	[tilespmem:$0x1F350] =	vst v63  }
0x1dd: {  	_ = 	snop  }
0x1de: {  	[spmem:s3] =	stream.indirect.scatter.add.f32 [tilespmem:s5], [sflag:$0x1], $0x1, s19, s26, $0xb8;
	[tilespmem:$0x1F350] =	vst v63  }
0x1df: {  	_ = 	snop  }
0x1e0: {  	[spmem:s3] =	stream.indirect.scatter.add.f32 [tilespmem:s25], [sflag:$0x1], $0x1, s17, s26, $0xb8;
	[tilespmem:$0x1F350] =	vst v63  }
0x1e1: {  	_ = 	snop  }
0x1e2: {  	[spmem:s3] =	stream.indirect.scatter.add.f32 [tilespmem:s13], [sflag:$0x1], $0x1, s6, s26, $0xb8;
	[tilespmem:$0x1F350] =	vst v63  }
0x1e3: {  	s18 =	simm.s32 $0x1CC50  }
0x1e4: {  	[spmem:s3] =	stream.indirect.scatter.add.f32 [tilespmem:s23], [sflag:$0x1], $0x1, s18, s26, $0xb8;
	[tilespmem:$0x1F350] =	vst v63  }
0x1e5: {  	s22 =	simm.s32 $0x1CCD0;
	s19 =	simm.s32 $0x1C0D0  }
0x1e6: {  	[spmem:s3] =	stream.indirect.scatter.add.f32 [tilespmem:s19], [sflag:$0x1], $0x1, s22, s26, $0xb8;
	[tilespmem:$0x1F350] =	vst v63  }
0x1e7: {  	s24 =	simm.s32 $0x1C150;
	s23 =	simm.s32 $0x1CD50  }
0x1e8: {  	[spmem:s3] =	stream.indirect.scatter.add.f32 [tilespmem:s24], [sflag:$0x1], $0x1, s23, s26, $0xb8;
	[tilespmem:$0x1F350] =	vst v63  }
0x1e9: {  	s30 =	simm.s32 $0x1C1D0;
	s25 =	simm.s32 $0x1CDD0  }
0x1ea: {  	[spmem:s3] =	stream.indirect.scatter.add.f32 [tilespmem:s30], [sflag:$0x1], $0x1, s25, s26, $0xb8;
	[tilespmem:$0x1F350] =	vst v63  }
0x1eb: {  	s5 =	simm.s32 $0x1CE50;
	s6 =	simm.s32 $0x1C250  }
0x1ec: {  	[spmem:s3] =	stream.indirect.scatter.add.f32 [tilespmem:s6], [sflag:$0x1], $0x1, s5, s26, $0xb8;
	[tilespmem:$0x1F350] =	vst v63  }
0x1ed: {  	s7 =	simm.s32 $0x1CED0;
	s8 =	simm.s32 $0x1C2D0  }
0x1ee: {  	[spmem:s3] =	stream.indirect.scatter.add.f32 [tilespmem:s8], [sflag:$0x1], $0x1, s7, s26, $0xb8;
	[tilespmem:$0x1F350] =	vst v63  }
0x1ef: {  	s9 =	simm.s32 $0x1CF50;
	s10 =	simm.s32 $0x1C350  }
0x1f0: {  	[spmem:s3] =	stream.indirect.scatter.add.f32 [tilespmem:s10], [sflag:$0x1], $0x1, s9, s26, $0xb8;
	[tilespmem:$0x1F350] =	vst v63  }
0x1f1: {  	s11 =	simm.s32 $0x1CFD0;
	s12 =	simm.s32 $0x1C3D0  }
0x1f2: {  	[spmem:s3] =	stream.indirect.scatter.add.f32 [tilespmem:s12], [sflag:$0x1], $0x1, s11, s26, $0xb8;
	[tilespmem:$0x1F350] =	vst v63  }
0x1f3: {  	s14 =	simm.s32 $0x1C450;
	s13 =	simm.s32 $0x1D050  }
0x1f4: {  	[spmem:s3] =	stream.indirect.scatter.add.f32 [tilespmem:s14], [sflag:$0x1], $0x1, s13, s26, $0xb8;
	[tilespmem:$0x1F350] =	vst v63  }
0x1f5: {  	s15 =	simm.s32 $0x1D0D0;
	s16 =	simm.s32 $0x1C4D0  }
0x1f6: {  	[spmem:s3] =	stream.indirect.scatter.add.f32 [tilespmem:s16], [sflag:$0x1], $0x1, s15, s26, $0xb8;
	[tilespmem:$0x1F350] =	vst v63  }
0x1f7: {  	s17 =	simm.s32 $0x1D150;
	s18 =	simm.s32 $0x1C550  }
0x1f8: {  	[spmem:s3] =	stream.indirect.scatter.add.f32 [tilespmem:s18], [sflag:$0x1], $0x1, s17, s26, $0xb8;
	[tilespmem:$0x1F350] =	vst v63  }
0x1f9: {  	s19 =	simm.s32 $0x1D1D0;
	s22 =	simm.s32 $0x1C5D0  }
0x1fa: {  	[spmem:s3] =	stream.indirect.scatter.add.f32 [tilespmem:s22], [sflag:$0x1], $0x1, s19, s26, $0xb8;
	[tilespmem:$0x1F350] =	vst v63  }
0x1fb: {  	s23 =	simm.s32 $0x1D250;
	s24 =	simm.s32 $0x1C650  }
0x1fc: {  	[spmem:s3] =	stream.indirect.scatter.add.f32 [tilespmem:s24], [sflag:$0x1], $0x1, s23, s26, $0xb8;
	[tilespmem:$0x1F350] =	vst v63  }
0x1fd: {  	s25 =	simm.s32 $0x1D2D0;
	s30 =	simm.s32 $0x1C6D0  }
0x1fe: {  	[spmem:s3] =	stream.indirect.scatter.add.f32 [tilespmem:s30], [sflag:$0x1], $0x1, s25, s26, $0xb8;
	[tilespmem:$0x1F350] =	vst v63  }
0x1ff: {  	_ =	swait.ge [sflag:s20], $0x80  }
0x200: {  	[sflag:s20] =	ssyncset.done $0x0  }
0x201: {  	[sflag:s20] =	ssyncadd.s32 $0xFFFFFF80  }
0x202: {  	_ =	swait.ge [sflag:s20], $0x80  }
0x203: {  	[sflag:s20] =	ssyncset.done $0x0  }
0x204: {  	[sflag:s20] =	ssyncadd.s32 $0xFFFFFF80  }
0x205: {  	_ =	swait.ge [sflag:s20], $0x80  }
0x206: {  	[sflag:s20] =	ssyncset.done $0x0  }
0x207: {  	[sflag:s20] =	ssyncadd.s32 $0xFFFFFF80  }
0x208: {  	_ =	swait.ge [sflag:s20], $0x80  }
0x209: {  	[sflag:s20] =	ssyncset.done $0x0  }
0x20a: {  	[sflag:s20] =	ssyncadd.s32 $0xFFFFFF80  }
0x20b: {  	_ =	swait.ge [sflag:s20], $0x80  }
0x20c: {  	[sflag:s20] =	ssyncset.done $0x0  }
0x20d: {  	[sflag:s20] =	ssyncadd.s32 $0xFFFFFF80  }
0x20e: {  	_ =	swait.ge [sflag:s20], $0x80  }
0x20f: {  	[sflag:s20] =	ssyncset.done $0x0  }
0x210: {  	[sflag:s20] =	ssyncadd.s32 $0xFFFFFF80  }
0x211: {  	_ =	swait.ge [sflag:s20], $0x80  }
0x212: {  	[sflag:s20] =	ssyncset.done $0x0  }
0x213: {  	[sflag:s20] =	ssyncadd.s32 $0xFFFFFF80  }
0x214: {  	_ =	swait.ge [sflag:s20], $0x80  }
0x215: {  	[sflag:s20] =	ssyncset.done $0x0  }
0x216: {  	[sflag:s20] =	ssyncadd.s32 $0xFFFFFF80  }
0x217: {  	_ =	swait.ge [sflag:s20], $0x80  }
0x218: {  	[sflag:s20] =	ssyncset.done $0x0  }
0x219: {  	[sflag:s20] =	ssyncadd.s32 $0xFFFFFF80  }
0x21a: {  	_ =	swait.ge [sflag:s20], $0x80  }
0x21b: {  	[sflag:s20] =	ssyncset.done $0x0  }
0x21c: {  	[sflag:s20] =	ssyncadd.s32 $0xFFFFFF80  }
0x21d: {  	_ =	swait.ge [sflag:s20], $0x80  }
0x21e: {  	[sflag:s20] =	ssyncset.done $0x0  }
0x21f: {  	[sflag:s20] =	ssyncadd.s32 $0xFFFFFF80  }
0x220: {  	_ =	swait.ge [sflag:s20], $0x80  }
0x221: {  	[sflag:s20] =	ssyncset.done $0x0  }
0x222: {  	[sflag:s20] =	ssyncadd.s32 $0xFFFFFF80  }
0x223: {  	_ =	swait.ge [sflag:s20], $0x80  }
0x224: {  	[sflag:s20] =	ssyncset.done $0x0  }
0x225: {  	[sflag:s20] =	ssyncadd.s32 $0xFFFFFF80  }
0x226: {  	_ =	swait.ge [sflag:s20], $0x80  }
0x227: {  	[sflag:s20] =	ssyncset.done $0x0  }
0x228: {  	[sflag:s20] =	ssyncadd.s32 $0xFFFFFF80  }
0x229: {  	_ =	swait.ge [sflag:s20], $0x80  }
0x22a: {  	[sflag:s20] =	ssyncset.done $0x0  }
0x22b: {  	[sflag:s20] =	ssyncadd.s32 $0xFFFFFF80  }
0x22c: {  	_ =	swait.ge [sflag:s20], $0x80  }
0x22d: {  	[sflag:s20] =	ssyncset.done $0x0  }
0x22e: {  	[sflag:s20] =	ssyncadd.s32 $0xFFFFFF80  }
0x22f: {  	_ =	swait.ge [sflag:s20], $0x80  }
0x230: {  	[sflag:s20] =	ssyncset.done $0x0  }
0x231: {  	[sflag:s20] =	ssyncadd.s32 $0xFFFFFF80  }
0x232: {  	_ =	swait.ge [sflag:s20], $0x80  }
0x233: {  	[sflag:s20] =	ssyncset.done $0x0  }
0x234: {  	[sflag:s20] =	ssyncadd.s32 $0xFFFFFF80  }
0x235: {  	_ =	swait.ge [sflag:s20], $0x80  }
0x236: {  	[sflag:s20] =	ssyncset.done $0x0  }
0x237: {  	[sflag:s20] =	ssyncadd.s32 $0xFFFFFF80  }
0x238: {  	_ =	swait.ge [sflag:s20], $0x80  }
0x239: {  	[sflag:s20] =	ssyncset.done $0x0  }
0x23a: {  	[sflag:s20] =	ssyncadd.s32 $0xFFFFFF80  }
0x23b: {  	_ =	swait.ge [sflag:s20], $0x80  }
0x23c: {  	[sflag:s20] =	ssyncset.done $0x0  }
0x23d: {  	[sflag:s20] =	ssyncadd.s32 $0xFFFFFF80  }
0x23e: {  	_ =	swait.ge [sflag:s20], $0x80  }
0x23f: {  	[sflag:s20] =	ssyncset.done $0x0  }
0x240: {  	[sflag:s20] =	ssyncadd.s32 $0xFFFFFF80  }
0x241: {  	_ =	swait.ge [sflag:s20], $0x80  }
0x242: {  	[sflag:s20] =	ssyncset.done $0x0  }
0x243: {  	[sflag:s20] =	ssyncadd.s32 $0xFFFFFF80  }
0x244: {  	_ =	swait.ge [sflag:s20], $0x80  }
0x245: {  	[sflag:s20] =	ssyncset.done $0x0  }
0x246: {  	[sflag:s20] =	ssyncadd.s32 $0xFFFFFF80  }
0x247: {  	[bflag:$0x0] =	sbarrier.arrive $0xFFFF  }
0x248: {  	s0 =	simm.s32 $0x1D350;
	s29 =	rddreg [dreg:$0x1e]  }
0x249: {  	[tilespmem:s0], [sflag:$0x2] =	stream.linear.gather [spmem:s29], $0x2000, $0x38;
	[tilespmem:$0x1F350] =	vst v63  }
0x24a: {  	_ =	swait.ge [sflag:s21], $0x2000  }
0x24b: {  	[sflag:s21] =	ssyncset.done $0x0;
	s31 =	rddreg [dreg:$0x1c]  }
0x24c: {  	[sflag:s21] =	ssyncadd.s32 $0xFFFFE000;
	s28 =	sadd.s32 $0x0, s31  }
0x24d: {  	[hbm4b:s28+s4] =	stream.linear.scatter [tilespmem:s0], [sflag:$0x2], $0x2000, $0x38;
	[tilespmem:$0x1F350] =	vst v63  }
0x24e: {  	_ =	swait.ge [sflag:s21], $0x2000  }
0x24f: {  	s28 =	simm.s32 $0x400;
	[sflag:s21] =	ssyncset.done $0x0  }
.LBB2_8:
0x250: {  	p2 =	sne.s32 s28, $0x2800;
	[sflag:s21] =	ssyncadd.s32 $0xFFFFE000;
	s29 =	sadd.s32 $0x2000, s29  }
0x251: {  	[tilespmem:s0], [sflag:$0x2] =	stream.linear.gather [spmem:s29], $0x2000, $0x38;
	[tilespmem:$0x1F350] =	vst v63  }
0x252: {  	s30 =	smov.u32 s28;
	s28 =	sadd.s32 $0x400, s28;
	_ =	swait.ge [sflag:s21], $0x2000  }
.Ltmp4:
0x253: {  	[sflag:s21] =	ssyncset.done $0x0;
	(pc) =	sbr.rel @p2 .LBB2_8-.Ltmp4, $4  }
0x254: {  	s30 =	sadd.s32 s30, s31;
	[sflag:s21] =	ssyncadd.s32 $0xFFFFE000  }
0x255: {  	[hbm4b:s30+s4] =	stream.linear.scatter [tilespmem:s0], [sflag:$0x2], $0x2000, $0x38;
	[tilespmem:$0x1F350] =	vst v63  }
0x256: {  	_ =	swait.ge [sflag:s21], $0x2000  }
0x257: {  	[sflag:s21] =	ssyncset.done $0x0  }
.Ltmp5:
0x258: {  	_ = 	snop;
	(pc) =	sbr.rel .LBB2_9-.Ltmp5, $1  }
0x259: {  	_ =	sdelay $0x3  }
.LBB2_2:
0x25a: {  	s28 =	rddreg [dreg:$0xb]  }
0x25b: {  	[spmem:s28] =	stream.linear.scatter [tilespmem:s29], [sflag:$0x2], $0x1000, $0x38;
	[tilespmem:$0x1F350] =	vst v63  }
0x25c: {  	_ =	swait.ge [sflag:s21], $0x1000  }
0x25d: {  	[sflag:s21] =	ssyncset.done $0x0  }
0x25e: {  	s28 =	rddreg [dreg:$0x17];
	[sflag:s21] =	ssyncadd.s32 $0xFFFFF000  }
0x25f: {  	[spmem:s28] =	stream.linear.scatter [tilespmem:s29], [sflag:$0x2], $0x1000, $0x38;
	[tilespmem:$0x1F350] =	vst v63  }
0x260: {  	_ =	swait.ge [sflag:s21], $0x1000  }
0x261: {  	[sflag:s21] =	ssyncset.done $0x0  }
0x262: {  	s28 =	rddreg [dreg:$0x18];
	[sflag:s21] =	ssyncadd.s32 $0xFFFFF000  }
0x263: {  	[spmem:s28] =	stream.linear.scatter [tilespmem:s29], [sflag:$0x2], $0x1000, $0x38;
	[tilespmem:$0x1F350] =	vst v63  }
0x264: {  	_ =	swait.ge [sflag:s21], $0x1000  }
0x265: {  	[sflag:s21] =	ssyncset.done $0x0  }
0x266: {  	s28 =	rddreg [dreg:$0xc];
	[sflag:s21] =	ssyncadd.s32 $0xFFFFF000  }
0x267: {  	[spmem:s28] =	stream.linear.scatter [tilespmem:s29], [sflag:$0x2], $0xD10, $0x38;
	[tilespmem:$0x1F350] =	vst v63  }
0x268: {  	_ =	swait.ge [sflag:s21], $0xD10  }
0x269: {  	[sflag:s21] =	ssyncset.done $0x0  }
0x26a: {  	[sflag:s21] =	ssyncadd.s32 $0xFFFFF2F0  }
0x26b: {  	[bflag:$0x0] =	sbarrier.arrive $0xFFFF  }
0x26c: {  	s28 =	rddreg [dreg:$0x6]  }
0x26d: {  	s28 =	sadd.s32 $0x0, s28  }
0x26e: {  	[tilespmem:s24], [sflag:$0x2] =	stream.linear.gather [hbm4b:s28+s4], $0xC00, $0x38;
	[tilespmem:$0x1F350] =	vst v63  }
0x26f: {  	_ =	swait.ge [sflag:s21], $0xC00  }
0x270: {  	s28 =	rddreg [dreg:$0x7];
	[sflag:s21] =	ssyncset.done $0x0  }
0x271: {  	[sflag:s21] =	ssyncadd.s32 $0xFFFFF400;
	s28 =	sadd.s32 $0x0, s28  }
0x272: {  	[tilespmem:s31], [sflag:$0x2] =	stream.linear.gather [hbm4b:s28+s4], $0xC00, $0x38;
	[tilespmem:$0x1F350] =	vst v63  }
0x273: {  	_ =	swait.ge [sflag:s21], $0xC00  }
0x274: {  	[sflag:s21] =	ssyncset.done $0x0  }
0x275: {  	[sflag:s21] =	ssyncadd.s32 $0xFFFFF400  }
0x276: {  	[spmem:s1] =	stream.indirect.scatter.add.f32 [tilespmem:s24], [sflag:$0x1], $0x1, s31, s26, $0xb8;
	[tilespmem:$0x1F350] =	vst v63  }
0x277: {  	_ = 	snop  }
0x278: {  	[spmem:s1] =	stream.indirect.scatter.add.f32 [tilespmem:s0], [sflag:$0x1], $0x1, s30, s26, $0xb8;
	[tilespmem:$0x1F350] =	vst v63  }
0x279: {  	_ = 	snop  }
0x27a: {  	[spmem:s1] =	stream.indirect.scatter.add.f32 [tilespmem:s7], [sflag:$0x1], $0x1, s2, s26, $0xb8;
	[tilespmem:$0x1F350] =	vst v63  }
0x27b: {  	_ = 	snop  }
0x27c: {  	[spmem:s1] =	stream.indirect.scatter.add.f32 [tilespmem:s9], [sflag:$0x1], $0x1, s8, s26, $0xb8;
	[tilespmem:$0x1F350] =	vst v63  }
0x27d: {  	_ = 	snop  }
0x27e: {  	[spmem:s1] =	stream.indirect.scatter.add.f32 [tilespmem:s11], [sflag:$0x1], $0x1, s10, s26, $0xb8;
	[tilespmem:$0x1F350] =	vst v63  }
0x27f: {  	_ = 	snop  }
0x280: {  	[spmem:s1] =	stream.indirect.scatter.add.f32 [tilespmem:s15], [sflag:$0x1], $0x1, s12, s26, $0xb8;
	[tilespmem:$0x1F350] =	vst v63  }
0x281: {  	_ = 	snop  }
0x282: {  	[spmem:s1] =	stream.indirect.scatter.add.f32 [tilespmem:s18], [sflag:$0x1], $0x1, s16, s26, $0xb8;
	[tilespmem:$0x1F350] =	vst v63  }
0x283: {  	_ = 	snop  }
0x284: {  	[spmem:s1] =	stream.indirect.scatter.add.f32 [tilespmem:s5], [sflag:$0x1], $0x1, s19, s26, $0xb8;
	[tilespmem:$0x1F350] =	vst v63  }
0x285: {  	_ = 	snop  }
0x286: {  	[spmem:s1] =	stream.indirect.scatter.add.f32 [tilespmem:s25], [sflag:$0x1], $0x1, s17, s26, $0xb8;
	[tilespmem:$0x1F350] =	vst v63  }
0x287: {  	_ = 	snop  }
0x288: {  	[spmem:s1] =	stream.indirect.scatter.add.f32 [tilespmem:s13], [sflag:$0x1], $0x1, s6, s26, $0xb8;
	[tilespmem:$0x1F350] =	vst v63  }
0x289: {  	_ = 	snop  }
0x28a: {  	[spmem:s1] =	stream.indirect.scatter.add.f32 [tilespmem:s23], [sflag:$0x1], $0x1, s14, s26, $0xb8;
	[tilespmem:$0x1F350] =	vst v63  }
0x28b: {  	s19 =	simm.s32 $0x1C0D0  }
0x28c: {  	[spmem:s1] =	stream.indirect.scatter.add.f32 [tilespmem:s19], [sflag:$0x1], $0x1, s22, s26, $0xb8;
	[tilespmem:$0x1F350] =	vst v63  }
0x28d: {  	s24 =	simm.s32 $0x1C150;
	s23 =	simm.s32 $0x1CD50  }
0x28e: {  	[spmem:s1] =	stream.indirect.scatter.add.f32 [tilespmem:s24], [sflag:$0x1], $0x1, s23, s26, $0xb8;
	[tilespmem:$0x1F350] =	vst v63  }
0x28f: {  	s31 =	simm.s32 $0x1C1D0;
	s25 =	simm.s32 $0x1CDD0  }
0x290: {  	[spmem:s1] =	stream.indirect.scatter.add.f32 [tilespmem:s31], [sflag:$0x1], $0x1, s25, s26, $0xb8;
	[tilespmem:$0x1F350] =	vst v63  }
0x291: {  	s5 =	simm.s32 $0x1CE50;
	s6 =	simm.s32 $0x1C250  }
0x292: {  	[spmem:s1] =	stream.indirect.scatter.add.f32 [tilespmem:s6], [sflag:$0x1], $0x1, s5, s26, $0xb8;
	[tilespmem:$0x1F350] =	vst v63  }
0x293: {  	s7 =	simm.s32 $0x1CED0;
	s8 =	simm.s32 $0x1C2D0  }
0x294: {  	[spmem:s1] =	stream.indirect.scatter.add.f32 [tilespmem:s8], [sflag:$0x1], $0x1, s7, s26, $0xb8;
	[tilespmem:$0x1F350] =	vst v63  }
0x295: {  	s9 =	simm.s32 $0x1CF50;
	s10 =	simm.s32 $0x1C350  }
0x296: {  	[spmem:s1] =	stream.indirect.scatter.add.f32 [tilespmem:s10], [sflag:$0x1], $0x1, s9, s26, $0xb8;
	[tilespmem:$0x1F350] =	vst v63  }
0x297: {  	s11 =	simm.s32 $0x1CFD0;
	s12 =	simm.s32 $0x1C3D0  }
0x298: {  	[spmem:s1] =	stream.indirect.scatter.add.f32 [tilespmem:s12], [sflag:$0x1], $0x1, s11, s26, $0xb8;
	[tilespmem:$0x1F350] =	vst v63  }
0x299: {  	s13 =	simm.s32 $0x1D050;
	s14 =	simm.s32 $0x1C450  }
0x29a: {  	[spmem:s1] =	stream.indirect.scatter.add.f32 [tilespmem:s14], [sflag:$0x1], $0x1, s13, s26, $0xb8;
	[tilespmem:$0x1F350] =	vst v63  }
0x29b: {  	s15 =	simm.s32 $0x1D0D0;
	s16 =	simm.s32 $0x1C4D0  }
0x29c: {  	[spmem:s1] =	stream.indirect.scatter.add.f32 [tilespmem:s16], [sflag:$0x1], $0x1, s15, s26, $0xb8;
	[tilespmem:$0x1F350] =	vst v63  }
0x29d: {  	s18 =	simm.s32 $0x1C550;
	s17 =	simm.s32 $0x1D150  }
0x29e: {  	[spmem:s1] =	stream.indirect.scatter.add.f32 [tilespmem:s18], [sflag:$0x1], $0x1, s17, s26, $0xb8;
	[tilespmem:$0x1F350] =	vst v63  }
0x29f: {  	s19 =	simm.s32 $0x1D1D0;
	s22 =	simm.s32 $0x1C5D0  }
0x2a0: {  	[spmem:s1] =	stream.indirect.scatter.add.f32 [tilespmem:s22], [sflag:$0x1], $0x1, s19, s26, $0xb8;
	[tilespmem:$0x1F350] =	vst v63  }
0x2a1: {  	s23 =	simm.s32 $0x1D250;
	s24 =	simm.s32 $0x1C650  }
0x2a2: {  	[spmem:s1] =	stream.indirect.scatter.add.f32 [tilespmem:s24], [sflag:$0x1], $0x1, s23, s26, $0xb8;
	[tilespmem:$0x1F350] =	vst v63  }
0x2a3: {  	s25 =	simm.s32 $0x1D2D0;
	s31 =	simm.s32 $0x1C6D0  }
0x2a4: {  	[spmem:s1] =	stream.indirect.scatter.add.f32 [tilespmem:s31], [sflag:$0x1], $0x1, s25, s26, $0xb8;
	[tilespmem:$0x1F350] =	vst v63  }
0x2a5: {  	_ =	swait.ge [sflag:s20], $0x80  }
0x2a6: {  	[sflag:s20] =	ssyncset.done $0x0  }
0x2a7: {  	[sflag:s20] =	ssyncadd.s32 $0xFFFFFF80  }
0x2a8: {  	_ =	swait.ge [sflag:s20], $0x80  }
0x2a9: {  	[sflag:s20] =	ssyncset.done $0x0  }
0x2aa: {  	[sflag:s20] =	ssyncadd.s32 $0xFFFFFF80  }
0x2ab: {  	_ =	swait.ge [sflag:s20], $0x80  }
0x2ac: {  	[sflag:s20] =	ssyncset.done $0x0  }
0x2ad: {  	[sflag:s20] =	ssyncadd.s32 $0xFFFFFF80  }
0x2ae: {  	_ =	swait.ge [sflag:s20], $0x80  }
0x2af: {  	[sflag:s20] =	ssyncset.done $0x0  }
0x2b0: {  	[sflag:s20] =	ssyncadd.s32 $0xFFFFFF80  }
0x2b1: {  	_ =	swait.ge [sflag:s20], $0x80  }
0x2b2: {  	[sflag:s20] =	ssyncset.done $0x0  }
0x2b3: {  	[sflag:s20] =	ssyncadd.s32 $0xFFFFFF80  }
0x2b4: {  	_ =	swait.ge [sflag:s20], $0x80  }
0x2b5: {  	[sflag:s20] =	ssyncset.done $0x0  }
0x2b6: {  	[sflag:s20] =	ssyncadd.s32 $0xFFFFFF80  }
0x2b7: {  	_ =	swait.ge [sflag:s20], $0x80  }
0x2b8: {  	[sflag:s20] =	ssyncset.done $0x0  }
0x2b9: {  	[sflag:s20] =	ssyncadd.s32 $0xFFFFFF80  }
0x2ba: {  	_ =	swait.ge [sflag:s20], $0x80  }
0x2bb: {  	[sflag:s20] =	ssyncset.done $0x0  }
0x2bc: {  	[sflag:s20] =	ssyncadd.s32 $0xFFFFFF80  }
0x2bd: {  	_ =	swait.ge [sflag:s20], $0x80  }
0x2be: {  	[sflag:s20] =	ssyncset.done $0x0  }
0x2bf: {  	[sflag:s20] =	ssyncadd.s32 $0xFFFFFF80  }
0x2c0: {  	_ =	swait.ge [sflag:s20], $0x80  }
0x2c1: {  	[sflag:s20] =	ssyncset.done $0x0  }
0x2c2: {  	[sflag:s20] =	ssyncadd.s32 $0xFFFFFF80  }
0x2c3: {  	_ =	swait.ge [sflag:s20], $0x80  }
0x2c4: {  	[sflag:s20] =	ssyncset.done $0x0  }
0x2c5: {  	[sflag:s20] =	ssyncadd.s32 $0xFFFFFF80  }
0x2c6: {  	_ =	swait.ge [sflag:s20], $0x80  }
0x2c7: {  	[sflag:s20] =	ssyncset.done $0x0  }
0x2c8: {  	[sflag:s20] =	ssyncadd.s32 $0xFFFFFF80  }
0x2c9: {  	_ =	swait.ge [sflag:s20], $0x80  }
0x2ca: {  	[sflag:s20] =	ssyncset.done $0x0  }
0x2cb: {  	[sflag:s20] =	ssyncadd.s32 $0xFFFFFF80  }
0x2cc: {  	_ =	swait.ge [sflag:s20], $0x80  }
0x2cd: {  	[sflag:s20] =	ssyncset.done $0x0  }
0x2ce: {  	[sflag:s20] =	ssyncadd.s32 $0xFFFFFF80  }
0x2cf: {  	_ =	swait.ge [sflag:s20], $0x80  }
0x2d0: {  	[sflag:s20] =	ssyncset.done $0x0  }
0x2d1: {  	[sflag:s20] =	ssyncadd.s32 $0xFFFFFF80  }
0x2d2: {  	_ =	swait.ge [sflag:s20], $0x80  }
0x2d3: {  	[sflag:s20] =	ssyncset.done $0x0  }
0x2d4: {  	[sflag:s20] =	ssyncadd.s32 $0xFFFFFF80  }
0x2d5: {  	_ =	swait.ge [sflag:s20], $0x80  }
0x2d6: {  	[sflag:s20] =	ssyncset.done $0x0  }
0x2d7: {  	[sflag:s20] =	ssyncadd.s32 $0xFFFFFF80  }
0x2d8: {  	_ =	swait.ge [sflag:s20], $0x80  }
0x2d9: {  	[sflag:s20] =	ssyncset.done $0x0  }
0x2da: {  	[sflag:s20] =	ssyncadd.s32 $0xFFFFFF80  }
0x2db: {  	_ =	swait.ge [sflag:s20], $0x80  }
0x2dc: {  	[sflag:s20] =	ssyncset.done $0x0  }
0x2dd: {  	[sflag:s20] =	ssyncadd.s32 $0xFFFFFF80  }
0x2de: {  	_ =	swait.ge [sflag:s20], $0x80  }
0x2df: {  	[sflag:s20] =	ssyncset.done $0x0  }
0x2e0: {  	s29 =	simm.s32 $0x300;
	[sflag:s20] =	ssyncadd.s32 $0xFFFFFF80  }
0x2e1: {  	s28 =	simm.s32 $0x180;
	s0 =	simm.s32 $0x1BBD0;
	_ =	swait.ge [sflag:s20], $0x80  }
0x2e2: {  	s2 =	simm.s32 $0x1C850;
	s5 =	simm.s32 $0x1BED0;
	[sflag:s20] =	ssyncset.done $0x0  }
0x2e3: {  	s6 =	simm.s32 $0x1CBD0;
	s7 =	simm.s32 $0x1BC50;
	[sflag:s20] =	ssyncadd.s32 $0xFFFFFF80  }
0x2e4: {  	s8 =	simm.s32 $0x1C8D0;
	s9 =	simm.s32 $0x1BCD0;
	_ =	swait.ge [sflag:s20], $0x80  }
0x2e5: {  	s10 =	simm.s32 $0x1C950;
	s11 =	simm.s32 $0x1BD50;
	[sflag:s20] =	ssyncset.done $0x0  }
0x2e6: {  	s12 =	simm.s32 $0x1C9D0;
	s13 =	simm.s32 $0x1BFD0;
	[sflag:s20] =	ssyncadd.s32 $0xFFFFFF80  }
0x2e7: {  	s15 =	simm.s32 $0x1BDD0;
	s16 =	simm.s32 $0x1CA50;
	_ =	swait.ge [sflag:s20], $0x80  }
0x2e8: {  	s18 =	simm.s32 $0x1BE50;
	s17 =	simm.s32 $0x1CB50;
	[sflag:s20] =	ssyncset.done $0x0  }
0x2e9: {  	s19 =	simm.s32 $0x1CAD0;
	s22 =	simm.s32 $0x1C750;
	[sflag:s20] =	ssyncadd.s32 $0xFFFFFF80  }
0x2ea: {  	s23 =	simm.s32 $0x1C050;
	s24 =	simm.s32 $0x1BB50;
	_ =	swait.ge [sflag:s20], $0x80  }
0x2eb: {  	s25 =	simm.s32 $0x1BF50;
	s30 =	rddreg [dreg:$0x6];
	[sflag:s20] =	ssyncset.done $0x0  }
.LBB2_3:
0x2ec: {  	[sflag:s20] =	ssyncadd.s32 $0xFFFFFF80;
	s30 =	sadd.s32 s28, s30  }
0x2ed: {  	[tilespmem:s24], [sflag:$0x2] =	stream.linear.gather [hbm4b:s30+s4], $0xC00, $0x38;
	[tilespmem:$0x1F350] =	vst v63  }
0x2ee: {  	_ =	swait.ge [sflag:s21], $0xC00  }
0x2ef: {  	s30 =	rddreg [dreg:$0x7];
	[sflag:s21] =	ssyncset.done $0x0  }
0x2f0: {  	[sflag:s21] =	ssyncadd.s32 $0xFFFFF400;
	s30 =	sadd.s32 s28, s30  }
0x2f1: {  	[tilespmem:s22], [sflag:$0x2] =	stream.linear.gather [hbm4b:s30+s4], $0xC00, $0x38;
	[tilespmem:$0x1F350] =	vst v63  }
0x2f2: {  	_ =	swait.ge [sflag:s21], $0xC00  }
0x2f3: {  	[sflag:s21] =	ssyncset.done $0x0  }
0x2f4: {  	s31 =	smov.u32 s29;
	[sflag:s21] =	ssyncadd.s32 $0xFFFFF400  }
0x2f5: {  	[spmem:s1] =	stream.indirect.scatter.add.f32 [tilespmem:s24], [sflag:$0x1], $0x1, s22, s26, $0xb8;
	[tilespmem:$0x1F350] =	vst v63  }
0x2f6: {  	s28 =	smov.u32 s31;
	s31 =	simm.s32 $0x1C7D0  }
0x2f7: {  	[spmem:s1] =	stream.indirect.scatter.add.f32 [tilespmem:s0], [sflag:$0x1], $0x1, s31, s26, $0xb8;
	[tilespmem:$0x1F350] =	vst v63  }
0x2f8: {  	_ = 	snop  }
0x2f9: {  	[spmem:s1] =	stream.indirect.scatter.add.f32 [tilespmem:s7], [sflag:$0x1], $0x1, s2, s26, $0xb8;
	[tilespmem:$0x1F350] =	vst v63  }
0x2fa: {  	_ = 	snop  }
0x2fb: {  	[spmem:s1] =	stream.indirect.scatter.add.f32 [tilespmem:s9], [sflag:$0x1], $0x1, s8, s26, $0xb8;
	[tilespmem:$0x1F350] =	vst v63  }
0x2fc: {  	_ = 	snop  }
0x2fd: {  	[spmem:s1] =	stream.indirect.scatter.add.f32 [tilespmem:s11], [sflag:$0x1], $0x1, s10, s26, $0xb8;
	[tilespmem:$0x1F350] =	vst v63  }
0x2fe: {  	_ = 	snop  }
0x2ff: {  	[spmem:s1] =	stream.indirect.scatter.add.f32 [tilespmem:s15], [sflag:$0x1], $0x1, s12, s26, $0xb8;
	[tilespmem:$0x1F350] =	vst v63  }
0x300: {  	_ = 	snop  }
0x301: {  	[spmem:s1] =	stream.indirect.scatter.add.f32 [tilespmem:s18], [sflag:$0x1], $0x1, s16, s26, $0xb8;
	[tilespmem:$0x1F350] =	vst v63  }
0x302: {  	_ = 	snop  }
0x303: {  	[spmem:s1] =	stream.indirect.scatter.add.f32 [tilespmem:s5], [sflag:$0x1], $0x1, s19, s26, $0xb8;
	[tilespmem:$0x1F350] =	vst v63  }
0x304: {  	_ = 	snop  }
0x305: {  	[spmem:s1] =	stream.indirect.scatter.add.f32 [tilespmem:s25], [sflag:$0x1], $0x1, s17, s26, $0xb8;
	[tilespmem:$0x1F350] =	vst v63  }
0x306: {  	_ = 	snop  }
0x307: {  	[spmem:s1] =	stream.indirect.scatter.add.f32 [tilespmem:s13], [sflag:$0x1], $0x1, s6, s26, $0xb8;
	[tilespmem:$0x1F350] =	vst v63  }
0x308: {  	s14 =	simm.s32 $0x1CC50  }
0x309: {  	[spmem:s1] =	stream.indirect.scatter.add.f32 [tilespmem:s23], [sflag:$0x1], $0x1, s14, s26, $0xb8;
	[tilespmem:$0x1F350] =	vst v63  }
0x30a: {  	s30 =	simm.s32 $0x1C0D0;
	s14 =	simm.s32 $0x1CCD0  }
0x30b: {  	[spmem:s1] =	stream.indirect.scatter.add.f32 [tilespmem:s30], [sflag:$0x1], $0x1, s14, s26, $0xb8;
	[tilespmem:$0x1F350] =	vst v63  }
0x30c: {  	s30 =	simm.s32 $0x1CD50;
	s14 =	simm.s32 $0x1C150  }
0x30d: {  	[spmem:s1] =	stream.indirect.scatter.add.f32 [tilespmem:s14], [sflag:$0x1], $0x1, s30, s26, $0xb8;
	[tilespmem:$0x1F350] =	vst v63  }
0x30e: {  	s30 =	simm.s32 $0x1CDD0;
	s14 =	simm.s32 $0x1C1D0  }
0x30f: {  	[spmem:s1] =	stream.indirect.scatter.add.f32 [tilespmem:s14], [sflag:$0x1], $0x1, s30, s26, $0xb8;
	[tilespmem:$0x1F350] =	vst v63  }
0x310: {  	s30 =	simm.s32 $0x1CE50;
	s14 =	simm.s32 $0x1C250  }
0x311: {  	[spmem:s1] =	stream.indirect.scatter.add.f32 [tilespmem:s14], [sflag:$0x1], $0x1, s30, s26, $0xb8;
	[tilespmem:$0x1F350] =	vst v63  }
0x312: {  	s30 =	simm.s32 $0x1CED0;
	s14 =	simm.s32 $0x1C2D0  }
0x313: {  	[spmem:s1] =	stream.indirect.scatter.add.f32 [tilespmem:s14], [sflag:$0x1], $0x1, s30, s26, $0xb8;
	[tilespmem:$0x1F350] =	vst v63  }
0x314: {  	s30 =	simm.s32 $0x1CF50;
	s14 =	simm.s32 $0x1C350  }
0x315: {  	[spmem:s1] =	stream.indirect.scatter.add.f32 [tilespmem:s14], [sflag:$0x1], $0x1, s30, s26, $0xb8;
	[tilespmem:$0x1F350] =	vst v63  }
0x316: {  	s30 =	simm.s32 $0x1CFD0;
	s14 =	simm.s32 $0x1C3D0  }
0x317: {  	[spmem:s1] =	stream.indirect.scatter.add.f32 [tilespmem:s14], [sflag:$0x1], $0x1, s30, s26, $0xb8;
	[tilespmem:$0x1F350] =	vst v63  }
0x318: {  	s30 =	simm.s32 $0x1D050;
	s14 =	simm.s32 $0x1C450  }
0x319: {  	[spmem:s1] =	stream.indirect.scatter.add.f32 [tilespmem:s14], [sflag:$0x1], $0x1, s30, s26, $0xb8;
	[tilespmem:$0x1F350] =	vst v63  }
0x31a: {  	s30 =	simm.s32 $0x1D0D0;
	s14 =	simm.s32 $0x1C4D0  }
0x31b: {  	[spmem:s1] =	stream.indirect.scatter.add.f32 [tilespmem:s14], [sflag:$0x1], $0x1, s30, s26, $0xb8;
	[tilespmem:$0x1F350] =	vst v63  }
0x31c: {  	s30 =	simm.s32 $0x1D150;
	s14 =	simm.s32 $0x1C550  }
0x31d: {  	[spmem:s1] =	stream.indirect.scatter.add.f32 [tilespmem:s14], [sflag:$0x1], $0x1, s30, s26, $0xb8;
	[tilespmem:$0x1F350] =	vst v63  }
0x31e: {  	s30 =	simm.s32 $0x1D1D0;
	s14 =	simm.s32 $0x1C5D0  }
0x31f: {  	[spmem:s1] =	stream.indirect.scatter.add.f32 [tilespmem:s14], [sflag:$0x1], $0x1, s30, s26, $0xb8;
	[tilespmem:$0x1F350] =	vst v63  }
0x320: {  	s30 =	simm.s32 $0x1D250;
	s14 =	simm.s32 $0x1C650  }
0x321: {  	[spmem:s1] =	stream.indirect.scatter.add.f32 [tilespmem:s14], [sflag:$0x1], $0x1, s30, s26, $0xb8;
	[tilespmem:$0x1F350] =	vst v63  }
0x322: {  	s30 =	simm.s32 $0x1D2D0;
	s14 =	simm.s32 $0x1C6D0  }
0x323: {  	[spmem:s1] =	stream.indirect.scatter.add.f32 [tilespmem:s14], [sflag:$0x1], $0x1, s30, s26, $0xb8;
	[tilespmem:$0x1F350] =	vst v63  }
0x324: {  	_ =	swait.ge [sflag:s20], $0x80  }
0x325: {  	[sflag:s20] =	ssyncset.done $0x0  }
0x326: {  	[sflag:s20] =	ssyncadd.s32 $0xFFFFFF80  }
0x327: {  	_ =	swait.ge [sflag:s20], $0x80  }
0x328: {  	[sflag:s20] =	ssyncset.done $0x0  }
0x329: {  	[sflag:s20] =	ssyncadd.s32 $0xFFFFFF80  }
0x32a: {  	_ =	swait.ge [sflag:s20], $0x80  }
0x32b: {  	[sflag:s20] =	ssyncset.done $0x0  }
0x32c: {  	[sflag:s20] =	ssyncadd.s32 $0xFFFFFF80  }
0x32d: {  	_ =	swait.ge [sflag:s20], $0x80  }
0x32e: {  	[sflag:s20] =	ssyncset.done $0x0  }
0x32f: {  	[sflag:s20] =	ssyncadd.s32 $0xFFFFFF80  }
0x330: {  	_ =	swait.ge [sflag:s20], $0x80  }
0x331: {  	[sflag:s20] =	ssyncset.done $0x0  }
0x332: {  	[sflag:s20] =	ssyncadd.s32 $0xFFFFFF80  }
0x333: {  	_ =	swait.ge [sflag:s20], $0x80  }
0x334: {  	[sflag:s20] =	ssyncset.done $0x0  }
0x335: {  	[sflag:s20] =	ssyncadd.s32 $0xFFFFFF80  }
0x336: {  	_ =	swait.ge [sflag:s20], $0x80  }
0x337: {  	[sflag:s20] =	ssyncset.done $0x0  }
0x338: {  	[sflag:s20] =	ssyncadd.s32 $0xFFFFFF80  }
0x339: {  	_ =	swait.ge [sflag:s20], $0x80  }
0x33a: {  	[sflag:s20] =	ssyncset.done $0x0  }
0x33b: {  	[sflag:s20] =	ssyncadd.s32 $0xFFFFFF80  }
0x33c: {  	_ =	swait.ge [sflag:s20], $0x80  }
0x33d: {  	[sflag:s20] =	ssyncset.done $0x0  }
0x33e: {  	[sflag:s20] =	ssyncadd.s32 $0xFFFFFF80  }
0x33f: {  	_ =	swait.ge [sflag:s20], $0x80  }
0x340: {  	[sflag:s20] =	ssyncset.done $0x0  }
0x341: {  	[sflag:s20] =	ssyncadd.s32 $0xFFFFFF80  }
0x342: {  	_ =	swait.ge [sflag:s20], $0x80  }
0x343: {  	[sflag:s20] =	ssyncset.done $0x0  }
0x344: {  	[sflag:s20] =	ssyncadd.s32 $0xFFFFFF80  }
0x345: {  	_ =	swait.ge [sflag:s20], $0x80  }
0x346: {  	[sflag:s20] =	ssyncset.done $0x0  }
0x347: {  	[sflag:s20] =	ssyncadd.s32 $0xFFFFFF80  }
0x348: {  	_ =	swait.ge [sflag:s20], $0x80  }
0x349: {  	[sflag:s20] =	ssyncset.done $0x0  }
0x34a: {  	[sflag:s20] =	ssyncadd.s32 $0xFFFFFF80  }
0x34b: {  	_ =	swait.ge [sflag:s20], $0x80  }
0x34c: {  	[sflag:s20] =	ssyncset.done $0x0  }
0x34d: {  	[sflag:s20] =	ssyncadd.s32 $0xFFFFFF80  }
0x34e: {  	_ =	swait.ge [sflag:s20], $0x80  }
0x34f: {  	[sflag:s20] =	ssyncset.done $0x0  }
0x350: {  	[sflag:s20] =	ssyncadd.s32 $0xFFFFFF80  }
0x351: {  	_ =	swait.ge [sflag:s20], $0x80  }
0x352: {  	[sflag:s20] =	ssyncset.done $0x0  }
0x353: {  	[sflag:s20] =	ssyncadd.s32 $0xFFFFFF80  }
0x354: {  	_ =	swait.ge [sflag:s20], $0x80  }
0x355: {  	[sflag:s20] =	ssyncset.done $0x0  }
0x356: {  	[sflag:s20] =	ssyncadd.s32 $0xFFFFFF80  }
0x357: {  	_ =	swait.ge [sflag:s20], $0x80  }
0x358: {  	[sflag:s20] =	ssyncset.done $0x0  }
0x359: {  	[sflag:s20] =	ssyncadd.s32 $0xFFFFFF80  }
0x35a: {  	_ =	swait.ge [sflag:s20], $0x80  }
0x35b: {  	[sflag:s20] =	ssyncset.done $0x0  }
0x35c: {  	[sflag:s20] =	ssyncadd.s32 $0xFFFFFF80  }
0x35d: {  	_ =	swait.ge [sflag:s20], $0x80  }
0x35e: {  	[sflag:s20] =	ssyncset.done $0x0  }
0x35f: {  	[sflag:s20] =	ssyncadd.s32 $0xFFFFFF80  }
0x360: {  	_ =	swait.ge [sflag:s20], $0x80  }
0x361: {  	[sflag:s20] =	ssyncset.done $0x0  }
0x362: {  	[sflag:s20] =	ssyncadd.s32 $0xFFFFFF80  }
0x363: {  	_ =	swait.ge [sflag:s20], $0x80  }
0x364: {  	[sflag:s20] =	ssyncset.done $0x0  }
0x365: {  	p2 =	sne.s32 s29, $0x2D00;
	[sflag:s20] =	ssyncadd.s32 $0xFFFFFF80  }
.Ltmp6:
0x366: {  	_ =	swait.ge [sflag:s20], $0x80;
	(pc) =	sbr.rel @p2 .LBB2_3-.Ltmp6, $4  }
0x367: {  	[sflag:s20] =	ssyncset.done $0x0  }
0x368: {  	[sflag:s20] =	ssyncadd.s32 $0xFFFFFF80  }
0x369: {  	_ =	swait.ge [sflag:s20], $0x80  }
0x36a: {  	s29 =	sadd.s32 $0x180, s29;
	s30 =	rddreg [dreg:$0x6];
	[sflag:s20] =	ssyncset.done $0x0  }
0x36b: {  	[sflag:s20] =	ssyncadd.s32 $0xFFFFFF80;
	s29 =	sadd.s32 s28, s30  }
0x36c: {  	[tilespmem:s24], [sflag:$0x2] =	stream.linear.gather [hbm4b:s29+s4], $0xC00, $0x38;
	[tilespmem:$0x1F350] =	vst v63  }
0x36d: {  	_ =	swait.ge [sflag:s21], $0xC00  }
0x36e: {  	s30 =	rddreg [dreg:$0x7];
	[sflag:s21] =	ssyncset.done $0x0  }
0x36f: {  	[sflag:s21] =	ssyncadd.s32 $0xFFFFF400;
	s14 =	sadd.s32 s28, s30  }
0x370: {  	[tilespmem:s22], [sflag:$0x2] =	stream.linear.gather [hbm4b:s14+s4], $0xC00, $0x38;
	[tilespmem:$0x1F350] =	vst v63  }
0x371: {  	_ =	swait.ge [sflag:s21], $0xC00  }
0x372: {  	[sflag:s21] =	ssyncset.done $0x0  }
0x373: {  	[sflag:s21] =	ssyncadd.s32 $0xFFFFF400  }
0x374: {  	[spmem:s1] =	stream.indirect.scatter.add.f32 [tilespmem:s24], [sflag:$0x1], $0x1, s22, s26, $0xb8;
	[tilespmem:$0x1F350] =	vst v63  }
0x375: {  	_ = 	snop  }
0x376: {  	[spmem:s1] =	stream.indirect.scatter.add.f32 [tilespmem:s0], [sflag:$0x1], $0x1, s31, s26, $0xb8;
	[tilespmem:$0x1F350] =	vst v63  }
0x377: {  	_ = 	snop  }
0x378: {  	[spmem:s1] =	stream.indirect.scatter.add.f32 [tilespmem:s7], [sflag:$0x1], $0x1, s2, s26, $0xb8;
	[tilespmem:$0x1F350] =	vst v63  }
0x379: {  	_ = 	snop  }
0x37a: {  	[spmem:s1] =	stream.indirect.scatter.add.f32 [tilespmem:s9], [sflag:$0x1], $0x1, s8, s26, $0xb8;
	[tilespmem:$0x1F350] =	vst v63  }
0x37b: {  	_ = 	snop  }
0x37c: {  	[spmem:s1] =	stream.indirect.scatter.add.f32 [tilespmem:s11], [sflag:$0x1], $0x1, s10, s26, $0xb8;
	[tilespmem:$0x1F350] =	vst v63  }
0x37d: {  	_ = 	snop  }
0x37e: {  	[spmem:s1] =	stream.indirect.scatter.add.f32 [tilespmem:s15], [sflag:$0x1], $0x1, s12, s26, $0xb8;
	[tilespmem:$0x1F350] =	vst v63  }
0x37f: {  	_ = 	snop  }
0x380: {  	[spmem:s1] =	stream.indirect.scatter.add.f32 [tilespmem:s18], [sflag:$0x1], $0x1, s16, s26, $0xb8;
	[tilespmem:$0x1F350] =	vst v63  }
0x381: {  	_ = 	snop  }
0x382: {  	[spmem:s1] =	stream.indirect.scatter.add.f32 [tilespmem:s5], [sflag:$0x1], $0x1, s19, s26, $0xb8;
	[tilespmem:$0x1F350] =	vst v63  }
0x383: {  	_ = 	snop  }
0x384: {  	[spmem:s1] =	stream.indirect.scatter.add.f32 [tilespmem:s25], [sflag:$0x1], $0x1, s17, s26, $0xb8;
	[tilespmem:$0x1F350] =	vst v63  }
0x385: {  	_ = 	snop  }
0x386: {  	[spmem:s1] =	stream.indirect.scatter.add.f32 [tilespmem:s13], [sflag:$0x1], $0x1, s6, s26, $0xb8;
	[tilespmem:$0x1F350] =	vst v63  }
0x387: {  	s22 =	simm.s32 $0x1CC50  }
0x388: {  	[spmem:s1] =	stream.indirect.scatter.add.f32 [tilespmem:s23], [sflag:$0x1], $0x1, s22, s26, $0xb8;
	[tilespmem:$0x1F350] =	vst v63  }
0x389: {  	s24 =	simm.s32 $0x1C0D0;
	s25 =	simm.s32 $0x1CCD0  }
0x38a: {  	[spmem:s1] =	stream.indirect.scatter.add.f32 [tilespmem:s24], [sflag:$0x1], $0x1, s25, s26, $0xb8;
	[tilespmem:$0x1F350] =	vst v63  }
0x38b: {  	s29 =	simm.s32 $0x1C150;
	s28 =	simm.s32 $0x1CD50  }
0x38c: {  	[spmem:s1] =	stream.indirect.scatter.add.f32 [tilespmem:s29], [sflag:$0x1], $0x1, s28, s26, $0xb8;
	[tilespmem:$0x1F350] =	vst v63  }
0x38d: {  	s30 =	simm.s32 $0x1CDD0;
	s31 =	simm.s32 $0x1C1D0  }
0x38e: {  	[spmem:s1] =	stream.indirect.scatter.add.f32 [tilespmem:s31], [sflag:$0x1], $0x1, s30, s26, $0xb8;
	[tilespmem:$0x1F350] =	vst v63  }
0x38f: {  	s5 =	simm.s32 $0x1CE50;
	s6 =	simm.s32 $0x1C250  }
0x390: {  	[spmem:s1] =	stream.indirect.scatter.add.f32 [tilespmem:s6], [sflag:$0x1], $0x1, s5, s26, $0xb8;
	[tilespmem:$0x1F350] =	vst v63  }
0x391: {  	s7 =	simm.s32 $0x1CED0;
	s8 =	simm.s32 $0x1C2D0  }
0x392: {  	[spmem:s1] =	stream.indirect.scatter.add.f32 [tilespmem:s8], [sflag:$0x1], $0x1, s7, s26, $0xb8;
	[tilespmem:$0x1F350] =	vst v63  }
0x393: {  	s9 =	simm.s32 $0x1CF50;
	s10 =	simm.s32 $0x1C350  }
0x394: {  	[spmem:s1] =	stream.indirect.scatter.add.f32 [tilespmem:s10], [sflag:$0x1], $0x1, s9, s26, $0xb8;
	[tilespmem:$0x1F350] =	vst v63  }
0x395: {  	s11 =	simm.s32 $0x1CFD0;
	s12 =	simm.s32 $0x1C3D0  }
0x396: {  	[spmem:s1] =	stream.indirect.scatter.add.f32 [tilespmem:s12], [sflag:$0x1], $0x1, s11, s26, $0xb8;
	[tilespmem:$0x1F350] =	vst v63  }
0x397: {  	s14 =	simm.s32 $0x1C450;
	s13 =	simm.s32 $0x1D050  }
0x398: {  	[spmem:s1] =	stream.indirect.scatter.add.f32 [tilespmem:s14], [sflag:$0x1], $0x1, s13, s26, $0xb8;
	[tilespmem:$0x1F350] =	vst v63  }
0x399: {  	s15 =	simm.s32 $0x1D0D0;
	s16 =	simm.s32 $0x1C4D0  }
0x39a: {  	[spmem:s1] =	stream.indirect.scatter.add.f32 [tilespmem:s16], [sflag:$0x1], $0x1, s15, s26, $0xb8;
	[tilespmem:$0x1F350] =	vst v63  }
0x39b: {  	s18 =	simm.s32 $0x1C550;
	s17 =	simm.s32 $0x1D150  }
0x39c: {  	[spmem:s1] =	stream.indirect.scatter.add.f32 [tilespmem:s18], [sflag:$0x1], $0x1, s17, s26, $0xb8;
	[tilespmem:$0x1F350] =	vst v63  }
0x39d: {  	s19 =	simm.s32 $0x1D1D0;
	s22 =	simm.s32 $0x1C5D0  }
0x39e: {  	[spmem:s1] =	stream.indirect.scatter.add.f32 [tilespmem:s22], [sflag:$0x1], $0x1, s19, s26, $0xb8;
	[tilespmem:$0x1F350] =	vst v63  }
0x39f: {  	s23 =	simm.s32 $0x1D250;
	s24 =	simm.s32 $0x1C650  }
0x3a0: {  	[spmem:s1] =	stream.indirect.scatter.add.f32 [tilespmem:s24], [sflag:$0x1], $0x1, s23, s26, $0xb8;
	[tilespmem:$0x1F350] =	vst v63  }
0x3a1: {  	s25 =	simm.s32 $0x1D2D0;
	s28 =	simm.s32 $0x1C6D0  }
0x3a2: {  	[spmem:s1] =	stream.indirect.scatter.add.f32 [tilespmem:s28], [sflag:$0x1], $0x1, s25, s26, $0xb8;
	[tilespmem:$0x1F350] =	vst v63  }
0x3a3: {  	_ =	swait.ge [sflag:s20], $0x80  }
0x3a4: {  	[sflag:s20] =	ssyncset.done $0x0  }
0x3a5: {  	[sflag:s20] =	ssyncadd.s32 $0xFFFFFF80  }
0x3a6: {  	_ =	swait.ge [sflag:s20], $0x80  }
0x3a7: {  	[sflag:s20] =	ssyncset.done $0x0  }
0x3a8: {  	[sflag:s20] =	ssyncadd.s32 $0xFFFFFF80  }
0x3a9: {  	_ =	swait.ge [sflag:s20], $0x80  }
0x3aa: {  	[sflag:s20] =	ssyncset.done $0x0  }
0x3ab: {  	[sflag:s20] =	ssyncadd.s32 $0xFFFFFF80  }
0x3ac: {  	_ =	swait.ge [sflag:s20], $0x80  }
0x3ad: {  	[sflag:s20] =	ssyncset.done $0x0  }
0x3ae: {  	[sflag:s20] =	ssyncadd.s32 $0xFFFFFF80  }
0x3af: {  	_ =	swait.ge [sflag:s20], $0x80  }
0x3b0: {  	[sflag:s20] =	ssyncset.done $0x0  }
0x3b1: {  	[sflag:s20] =	ssyncadd.s32 $0xFFFFFF80  }
0x3b2: {  	_ =	swait.ge [sflag:s20], $0x80  }
0x3b3: {  	[sflag:s20] =	ssyncset.done $0x0  }
0x3b4: {  	[sflag:s20] =	ssyncadd.s32 $0xFFFFFF80  }
0x3b5: {  	_ =	swait.ge [sflag:s20], $0x80  }
0x3b6: {  	[sflag:s20] =	ssyncset.done $0x0  }
0x3b7: {  	[sflag:s20] =	ssyncadd.s32 $0xFFFFFF80  }
0x3b8: {  	_ =	swait.ge [sflag:s20], $0x80  }
0x3b9: {  	[sflag:s20] =	ssyncset.done $0x0  }
0x3ba: {  	[sflag:s20] =	ssyncadd.s32 $0xFFFFFF80  }
0x3bb: {  	_ =	swait.ge [sflag:s20], $0x80  }
0x3bc: {  	[sflag:s20] =	ssyncset.done $0x0  }
0x3bd: {  	[sflag:s20] =	ssyncadd.s32 $0xFFFFFF80  }
0x3be: {  	_ =	swait.ge [sflag:s20], $0x80  }
0x3bf: {  	[sflag:s20] =	ssyncset.done $0x0  }
0x3c0: {  	[sflag:s20] =	ssyncadd.s32 $0xFFFFFF80  }
0x3c1: {  	_ =	swait.ge [sflag:s20], $0x80  }
0x3c2: {  	[sflag:s20] =	ssyncset.done $0x0  }
0x3c3: {  	[sflag:s20] =	ssyncadd.s32 $0xFFFFFF80  }
0x3c4: {  	_ =	swait.ge [sflag:s20], $0x80  }
0x3c5: {  	[sflag:s20] =	ssyncset.done $0x0  }
0x3c6: {  	[sflag:s20] =	ssyncadd.s32 $0xFFFFFF80  }
0x3c7: {  	_ =	swait.ge [sflag:s20], $0x80  }
0x3c8: {  	[sflag:s20] =	ssyncset.done $0x0  }
0x3c9: {  	[sflag:s20] =	ssyncadd.s32 $0xFFFFFF80  }
0x3ca: {  	_ =	swait.ge [sflag:s20], $0x80  }
0x3cb: {  	[sflag:s20] =	ssyncset.done $0x0  }
0x3cc: {  	[sflag:s20] =	ssyncadd.s32 $0xFFFFFF80  }
0x3cd: {  	_ =	swait.ge [sflag:s20], $0x80  }
0x3ce: {  	[sflag:s20] =	ssyncset.done $0x0  }
0x3cf: {  	[sflag:s20] =	ssyncadd.s32 $0xFFFFFF80  }
0x3d0: {  	_ =	swait.ge [sflag:s20], $0x80  }
0x3d1: {  	[sflag:s20] =	ssyncset.done $0x0  }
0x3d2: {  	[sflag:s20] =	ssyncadd.s32 $0xFFFFFF80  }
0x3d3: {  	_ =	swait.ge [sflag:s20], $0x80  }
0x3d4: {  	[sflag:s20] =	ssyncset.done $0x0  }
0x3d5: {  	[sflag:s20] =	ssyncadd.s32 $0xFFFFFF80  }
0x3d6: {  	_ =	swait.ge [sflag:s20], $0x80  }
0x3d7: {  	[sflag:s20] =	ssyncset.done $0x0  }
0x3d8: {  	[sflag:s20] =	ssyncadd.s32 $0xFFFFFF80  }
0x3d9: {  	_ =	swait.ge [sflag:s20], $0x80  }
0x3da: {  	[sflag:s20] =	ssyncset.done $0x0  }
0x3db: {  	[sflag:s20] =	ssyncadd.s32 $0xFFFFFF80  }
0x3dc: {  	_ =	swait.ge [sflag:s20], $0x80  }
0x3dd: {  	[sflag:s20] =	ssyncset.done $0x0  }
0x3de: {  	[sflag:s20] =	ssyncadd.s32 $0xFFFFFF80  }
0x3df: {  	_ =	swait.ge [sflag:s20], $0x80  }
0x3e0: {  	[sflag:s20] =	ssyncset.done $0x0  }
0x3e1: {  	[sflag:s20] =	ssyncadd.s32 $0xFFFFFF80  }
0x3e2: {  	_ =	swait.ge [sflag:s20], $0x80  }
0x3e3: {  	[sflag:s20] =	ssyncset.done $0x0  }
0x3e4: {  	[sflag:s20] =	ssyncadd.s32 $0xFFFFFF80  }
0x3e5: {  	_ =	swait.ge [sflag:s20], $0x80  }
0x3e6: {  	[sflag:s20] =	ssyncset.done $0x0  }
0x3e7: {  	[sflag:s20] =	ssyncadd.s32 $0xFFFFFF80  }
0x3e8: {  	_ =	swait.ge [sflag:s20], $0x80  }
0x3e9: {  	[sflag:s20] =	ssyncset.done $0x0  }
0x3ea: {  	[sflag:s20] =	ssyncadd.s32 $0xFFFFFF80  }
0x3eb: {  	[bflag:$0x0] =	sbarrier.arrive $0xFFFF  }
0x3ec: {  	s30 =	simm.s32 $0x1D350;
	s29 =	rddreg [dreg:$0xb]  }
0x3ed: {  	[tilespmem:s30], [sflag:$0x2] =	stream.linear.gather [spmem:s29], $0x2000, $0x38;
	[tilespmem:$0x1F350] =	vst v63  }
0x3ee: {  	_ =	swait.ge [sflag:s21], $0x2000  }
0x3ef: {  	[sflag:s21] =	ssyncset.done $0x0  }
0x3f0: {  	s31 =	rddreg [dreg:$0xd];
	[sflag:s21] =	ssyncadd.s32 $0xFFFFE000  }
0x3f1: {  	[hbm4b:s31+s4] =	stream.linear.scatter [tilespmem:s30], [sflag:$0x2], $0x2000, $0x38;
	[tilespmem:$0x1F350] =	vst v63  }
0x3f2: {  	_ =	swait.ge [sflag:s21], $0x2000  }
0x3f3: {  	[sflag:s21] =	ssyncset.done $0x0  }
0x3f4: {  	s28 =	simm.s32 @p1 $0x1D350;
	s29 =	rddreg [dreg:$0x10];
	[sflag:s21] =	ssyncadd.s32 $0xFFFFE000  }
0x3f5: {  	[tilespmem:s28], [sflag:$0x2] =	stream.linear.gather @p1 [spmem:s29], $0x1CA0, $0x38;
	[tilespmem:$0x1F350] =	vst v63  }
0x3f6: {  	s29 =	simm.s32 @p1 $0x2  }
0x3f7: {  	_ =	swait.ge @p1 [sflag:s29], $0x1CA0  }
0x3f8: {  	[sflag:s29] =	ssyncset.done @p1 $0x0  }
0x3f9: {  	s30 =	simm.s32 @p1 $0x0;
	s31 =	rddreg [dreg:$0x11];
	[sflag:s29] =	ssyncadd.s32 @p1 $0xFFFFE360  }
0x3fa: {  	[hbm4b:s31+s30] =	stream.linear.scatter @p1 [tilespmem:s28], [sflag:$0x2], $0x1CA0, $0x38;
	[tilespmem:$0x1F350] =	vst v63  }
0x3fb: {  	_ =	swait.ge @p1 [sflag:s29], $0x1CA0  }
0x3fc: {  	[sflag:s29] =	ssyncset.done @p1 $0x0  }
0x3fd: {  	s28 =	simm.s32 @!p1 $0x1D350;
	[sflag:s29] =	ssyncadd.s32 @p1 $0xFFFFE360;
	s29 =	rddreg [dreg:$0xe]  }
0x3fe: {  	[tilespmem:s28], [sflag:$0x2] =	stream.linear.gather @!p1 [spmem:s29], $0x1D10, $0x38;
	[tilespmem:$0x1F350] =	vst v63  }
0x3ff: {  	s29 =	simm.s32 @!p1 $0x2  }
0x400: {  	_ =	swait.ge @!p1 [sflag:s29], $0x1D10  }
0x401: {  	s30 =	simm.s32 @!p1 $0x0;
	[sflag:s29] =	ssyncset.done @!p1 $0x0  }
.Ltmp7:
0x402: {  	s31 =	rddreg [dreg:$0xf];
	[sflag:s29] =	ssyncadd.s32 @!p1 $0xFFFFE2F0;
	(pc) =	sbr.rel .LBB2_10-.Ltmp7, $4  }
0x403: {  	[hbm4b:s31+s30] =	stream.linear.scatter @!p1 [tilespmem:s28], [sflag:$0x2], $0x1D10, $0x38;
	[tilespmem:$0x1F350] =	vst v63  }
0x404: {  	_ =	swait.ge @!p1 [sflag:s29], $0x1D10  }
0x405: {  	[sflag:s29] =	ssyncset.done @!p1 $0x0  }
0x406: {  	s2 =	sld [smem:$0x7ED];
	[sflag:s29] =	ssyncadd.s32 @!p1 $0xFFFFE2F0  }
.LBB2_11:
0x407: {  	_ =	sfence.sel $0x180000  }
0x408: {  	[bflag:$0x0] =	sbarrier.arrive $0xFFFF  }
0x409: {  	_ =	strace $0x90000047  }
0x40a: {  	s0 =	stileid.u32;
	[bflag:$0x2] =	sbarrier.arrive $0xFFFF  }
0x40b: {  	p0 =	sne.s32 s0, $0x0;
	s0 =	rddreg [dreg:$0x5]  }
0x40c: {  	s0 =	sadd.s32 @!p0 $0x100000, s0  }
0x40d: {  	[sflag:s0] =	ssyncadd.tile.s32 @!p0 $0x1;
	_ =	shalt  }
.Lfunc_end2:
_tile_overlayer_lowered:
.L_overlay_start_2:
0x40e: {  	(tag) =	ssettag $0x2  }
0x40f: {  	s0 =	rddreg [dreg:$0x0];
	s2 =	stileid.u32  }
0x410: {  	s1 =	rddreg [dreg:$0x1];
	p0 =	sne.s32 s2, $0x0  }
0x411: {  	s3 =	rddreg [dreg:$0x2];
	[bflag:$0x3] =	sbarrier.arrive $0xFFFF;
	s2 =	simm.s32 @!p0 $0x1C02  }
0x412: {  	[timem:s3], [sflag:s2] =	dma.local @!p0 [hbm:s0], s1  }
0x413: {  	s0 =	simm.s32 @!p0 $0x2  }
0x414: {  	_ =	swait.ge @!p0 [sflag:s0], s1  }
0x415: {  	s1 =	ssub.s32 @!p0 $0x0, s1;
	[sflag:s0] =	ssyncset.done @!p0 $0x0  }
0x416: {  	[sflag:s0] =	ssyncadd.s32 @!p0 s1  }
0x417: {  	[bflag:$0x3] =	sbarrier.arrive $0xFFFF  }
0x418: {  	_ =	shalt  }

</sc_bundles>
